<compile_context>
chip_gen: v7x
topology: tpu7x:2x2x1
jax: 0.10.2.dev20260603
libtpu: 0.0.44.dev20260713+nightly
codegen_flags: <defaults>
</compile_context>

<pallas_src>
import functools

import jax
import jax.numpy as jnp
from jax import lax
from jax.experimental import pallas as pl
from jax.experimental.pallas import tpu as pltpu
from jax.experimental.pallas import tpu_sc as plsc

NUM_NODES = 100000
MEMORY_DIM = 256
BATCH = 16384

NC = 2
NS = 16
NW = NC * NS
B_PER_W = BATCH // NW

CHUNKS = (32, 32, 64, 128, 128, 120, 8)
NLIVE = len(CHUNKS) - 1
OFFS = tuple(sum(CHUNKS[:i]) for i in range(len(CHUNKS)))
LU_CHUNK = 128
N_LU = B_PER_W // LU_CHUNK

_mesh = plsc.VectorSubcoreMesh(core_axis_name="c", subcore_axis_name="s")


@functools.partial(
    pl.kernel,
    mesh=_mesh,
    out_type=(
        jax.ShapeDtypeStruct((BATCH, MEMORY_DIM), jnp.float32),
        jax.ShapeDtypeStruct((BATCH,), jnp.int32),
    ),
    scratch_types=(
        [pltpu.VMEM((B_PER_W,), jnp.int32),
         pltpu.VMEM((B_PER_W,), jnp.int32)]
        + [pltpu.VMEM((CHUNKS[i], MEMORY_DIM), jnp.float32)
           for i in range(NLIVE)]
        + [pltpu.SemaphoreType.DMA,
           pltpu.SemaphoreType.DMA,
           pltpu.SemaphoreType.DMA]
    ),
)
def _sc_gather(n_id_hbm, mem_hbm, lu_hbm, mem_out, lu_out,
               idx_v, lu_v, *bufs_and_sems):
    bufs = bufs_and_sems[:NLIVE]
    sem_rows, sem_lu, sem_out = bufs_and_sems[NLIVE:]

    wid = lax.axis_index("s") * NC + lax.axis_index("c")
    base = wid * B_PER_W

    pltpu.sync_copy(n_id_hbm.at[pl.ds(base, B_PER_W)], idx_v)

    def gather(c, buf):
        return pltpu.async_copy(
            mem_hbm.at[idx_v.at[pl.ds(OFFS[c], CHUNKS[c])]], buf, sem_rows)

    def write(c, buf):
        return pltpu.async_copy(
            buf, mem_out.at[pl.ds(base + OFFS[c], CHUNKS[c])], sem_out)

    gathers = [gather(c, bufs[c]) for c in range(NLIVE)]
    lu_copies = [
        pltpu.async_copy(lu_hbm.at[idx_v.at[pl.ds(c * LU_CHUNK, LU_CHUNK)]],
                         lu_v.at[pl.ds(c * LU_CHUNK, LU_CHUNK)], sem_lu)
        for c in range(N_LU)
    ]

    writes = [None] * len(CHUNKS)
    for c in range(NLIVE):
        gathers[c].wait()
        writes[c] = write(c, bufs[c])

    writes[0].wait()
    tail = len(CHUNKS) - 1
    tail_buf = bufs[0].at[pl.ds(0, CHUNKS[tail])]
    gather(tail, tail_buf).wait()
    writes[tail] = write(tail, tail_buf)

    for cp in lu_copies:
        cp.wait()
    lu_write = pltpu.async_copy(lu_v, lu_out.at[pl.ds(base, B_PER_W)],
                                sem_lu)

    for c in range(1, len(CHUNKS)):
        writes[c].wait()
    lu_write.wait()


def kernel(n_id, memory, last_update):
    mem_out, lu_out = _sc_gather(n_id, memory, last_update)
    return mem_out, lu_out, jnp.zeros((), jnp.float32)

# --- scband reference (transcript-rebuilt; emitter-appended) ---
"""Pipeline reference for scband-tgnplmemory-63840393888431 (READ-ONLY COPY).

The authoritative reference and input builder live on the scoring server;
editing this copy changes nothing except your own understanding.
"""

import jax, jax.numpy as jnp
import numpy as np

# TGNPLMemory config (per init_kwargs)
NUM_NODES = 100000
NUM_PRODS = 128
STATE_DIM = 128
MEMORY_DIM = STATE_DIM + NUM_PRODS  # use_inventory=True -> state_dim + num_prods = 256
BATCH = 16384


def setup_inputs(seed: int = 0) -> dict:
    key = jax.random.key(seed)
    k1, k2, k3 = jax.random.split(key, 3)
    # forward arg
    n_id = jax.random.randint(k1, (BATCH,), 0, NUM_NODES, dtype=jnp.int32)
    # persistent buffers (registered buffers of the module)
    memory = jax.random.normal(k2, (NUM_NODES, MEMORY_DIM), dtype=jnp.float32)
    last_update = jax.random.randint(k3, (NUM_NODES,), 0, 1_000_000, dtype=jnp.int32)
    return {"n_id": n_id, "memory": memory, "last_update": last_update}


def reference(n_id, memory, last_update):
    # TGNPLMemory.forward in eval mode:
    #   memory, last_update, inv_loss = self.memory[n_id], self.last_update[n_id], 0
    mem_out = jnp.take(memory, n_id, axis=0)        # gather rows: [B, memory_dim]
    lu_out = jnp.take(last_update, n_id, axis=0)    # gather:      [B]
    inv_loss = jnp.zeros((), dtype=jnp.float32)     # 0 in eval path
    return (mem_out, lu_out, inv_loss)

if __name__ == "__main__":
    import jax
    _d = setup_inputs()
    print(jax.jit(kernel)(*tuple(_d.values())))

</pallas_src>

<mosaic_0001>
#map = affine_map<(d0, d1) -> (0)>
#map1 = affine_map<(d0, d1) -> (0, 0)>
module attributes {stable_mosaic.version = 14 : i64} {
  func.func @_sc_gather(%arg0: i32, %arg1: i32, %arg2: memref<16384xi32, #tpu.memory_space<hbm>>, %arg3: memref<100000x256xf32, #tpu.memory_space<hbm>>, %arg4: memref<100000xi32, #tpu.memory_space<hbm>>, %arg5: memref<16384x256xf32, #tpu.memory_space<hbm>>, %arg6: memref<16384xi32, #tpu.memory_space<hbm>>, %arg7: memref<512xi32, #tpu.memory_space<vmem>>, %arg8: memref<512xi32, #tpu.memory_space<vmem>>, %arg9: memref<32x256xf32, #tpu.memory_space<vmem>>, %arg10: memref<32x256xf32, #tpu.memory_space<vmem>>, %arg11: memref<64x256xf32, #tpu.memory_space<vmem>>, %arg12: memref<128x256xf32, #tpu.memory_space<vmem>>, %arg13: memref<128x256xf32, #tpu.memory_space<vmem>>, %arg14: memref<120x256xf32, #tpu.memory_space<vmem>>, %arg15: memref<!tpu.dma_semaphore, #tpu.memory_space<semaphore_mem>>, %arg16: memref<!tpu.dma_semaphore, #tpu.memory_space<semaphore_mem>>, %arg17: memref<!tpu.dma_semaphore, #tpu.memory_space<semaphore_mem>>) attributes {dimension_semantics = [#tpu.dimension_semantics<core_parallel>, #tpu.dimension_semantics<subcore_parallel>], iteration_bounds = array<i64: 2, 16>, scalar_prefetch = 0 : i64, scratch_operands = 11 : i64, tpu.core_type = #tpu.core_type<sc_vector_subcore>, window_params = [{transform_indices = #map}, {transform_indices = #map1}, {transform_indices = #map}, {transform_indices = #map1}, {transform_indices = #map}]} {
    %mul3A = arith.constant 2 : i32
    %mul3A_0 = arith.muli %arg1, %mul3A : i32
    %add3A = arith.addi %mul3A_0, %arg0 : i32
    %mul3A_1 = arith.constant 512 : i32
    %mul3A_2 = arith.muli %add3A, %mul3A_1 : i32
    "tpu.region"() ({
      %run_scoped3A = tpu.sem_alloc : memref<!tpu.dma_semaphore, #tpu.memory_space<semaphore_mem>>
      %dma_start3A_211 = tpu.memref_slice %arg2[%mul3A_2] : memref<16384xi32, #tpu.memory_space<hbm>> -> memref<512xi32, #tpu.memory_space<hbm>>
      %dma_start3A_212 = tpu.memref_slice %arg2[%mul3A_2] : memref<16384xi32, #tpu.memory_space<hbm>> -> memref<512xi32, #tpu.memory_space<hbm>>
      tpu.enqueue_dma source(%dma_start3A_212 : memref<512xi32, #tpu.memory_space<hbm>>) target(%arg7 : memref<512xi32, #tpu.memory_space<vmem>>) target_semaphore(%run_scoped3A : memref<!tpu.dma_semaphore, #tpu.memory_space<semaphore_mem>>)
      %dma_wait3A_213 = tpu.memref_slice %arg2[%mul3A_2] : memref<16384xi32, #tpu.memory_space<hbm>> -> memref<512xi32, #tpu.memory_space<hbm>>
      %dma_wait3A_214 = tpu.memref_slice %arg2[%mul3A_2] : memref<16384xi32, #tpu.memory_space<hbm>> -> memref<512xi32, #tpu.memory_space<hbm>>
      tpu.wait_dma2 semaphore(%run_scoped3A : memref<!tpu.dma_semaphore, #tpu.memory_space<semaphore_mem>>) src(%dma_wait3A_214 : memref<512xi32, #tpu.memory_space<hbm>>) dst(%arg7 : memref<512xi32, #tpu.memory_space<vmem>>)
      tpu.yield
    }) : () -> ()
    %dma_start3A = arith.constant 0 : i32
    %dma_start3A_3 = tpu.memref_slice %arg7[%dma_start3A] : memref<512xi32, #tpu.memory_space<vmem>> -> memref<32xi32, #tpu.memory_space<vmem>>
    %dma_start3A_4 = arith.constant 0 : i32
    %dma_start3A_5 = arith.constant 0 : i32
    %dma_start3A_6 = tpu.memref_slice %arg3[%dma_start3A_4, %dma_start3A_5] : memref<100000x256xf32, #tpu.memory_space<hbm>> -> memref<100000x256xf32, #tpu.memory_space<hbm>>
    tpu.enqueue_indirect_dma source(%dma_start3A_6 : memref<100000x256xf32, #tpu.memory_space<hbm>>) target(%arg9 : memref<32x256xf32, #tpu.memory_space<vmem>>) offsets(%dma_start3A_3 : memref<32xi32, #tpu.memory_space<vmem>>) semaphore(%arg15 : memref<!tpu.dma_semaphore, #tpu.memory_space<semaphore_mem>>)
    %dma_start3A_7 = arith.constant 32 : i32
    %dma_start3A_8 = tpu.memref_slice %arg7[%dma_start3A_7] : memref<512xi32, #tpu.memory_space<vmem>> -> memref<32xi32, #tpu.memory_space<vmem>>
    %dma_start3A_9 = arith.constant 0 : i32
    %dma_start3A_10 = arith.constant 0 : i32
    %dma_start3A_11 = tpu.memref_slice %arg3[%dma_start3A_9, %dma_start3A_10] : memref<100000x256xf32, #tpu.memory_space<hbm>> -> memref<100000x256xf32, #tpu.memory_space<hbm>>
    tpu.enqueue_indirect_dma source(%dma_start3A_11 : memref<100000x256xf32, #tpu.memory_space<hbm>>) target(%arg10 : memref<32x256xf32, #tpu.memory_space<vmem>>) offsets(%dma_start3A_8 : memref<32xi32, #tpu.memory_space<vmem>>) semaphore(%arg15 : memref<!tpu.dma_semaphore, #tpu.memory_space<semaphore_mem>>)
    %dma_start3A_12 = arith.constant 64 : i32
    %dma_start3A_13 = tpu.memref_slice %arg7[%dma_start3A_12] : memref<512xi32, #tpu.memory_space<vmem>> -> memref<64xi32, #tpu.memory_space<vmem>>
    %dma_start3A_14 = arith.constant 0 : i32
    %dma_start3A_15 = arith.constant 0 : i32
    %dma_start3A_16 = tpu.memref_slice %arg3[%dma_start3A_14, %dma_start3A_15] : memref<100000x256xf32, #tpu.memory_space<hbm>> -> memref<100000x256xf32, #tpu.memory_space<hbm>>
    tpu.enqueue_indirect_dma source(%dma_start3A_16 : memref<100000x256xf32, #tpu.memory_space<hbm>>) target(%arg11 : memref<64x256xf32, #tpu.memory_space<vmem>>) offsets(%dma_start3A_13 : memref<64xi32, #tpu.memory_space<vmem>>) semaphore(%arg15 : memref<!tpu.dma_semaphore, #tpu.memory_space<semaphore_mem>>)
    %dma_start3A_17 = arith.constant 128 : i32
    %dma_start3A_18 = tpu.memref_slice %arg7[%dma_start3A_17] : memref<512xi32, #tpu.memory_space<vmem>> -> memref<128xi32, #tpu.memory_space<vmem>>
    %dma_start3A_19 = arith.constant 0 : i32
    %dma_start3A_20 = arith.constant 0 : i32
    %dma_start3A_21 = tpu.memref_slice %arg3[%dma_start3A_19, %dma_start3A_20] : memref<100000x256xf32, #tpu.memory_space<hbm>> -> memref<100000x256xf32, #tpu.memory_space<hbm>>
    tpu.enqueue_indirect_dma source(%dma_start3A_21 : memref<100000x256xf32, #tpu.memory_space<hbm>>) target(%arg12 : memref<128x256xf32, #tpu.memory_space<vmem>>) offsets(%dma_start3A_18 : memref<128xi32, #tpu.memory_space<vmem>>) semaphore(%arg15 : memref<!tpu.dma_semaphore, #tpu.memory_space<semaphore_mem>>)
    %dma_start3A_22 = arith.constant 256 : i32
    %dma_start3A_23 = tpu.memref_slice %arg7[%dma_start3A_22] : memref<512xi32, #tpu.memory_space<vmem>> -> memref<128xi32, #tpu.memory_space<vmem>>
    %dma_start3A_24 = arith.constant 0 : i32
    %dma_start3A_25 = arith.constant 0 : i32
    %dma_start3A_26 = tpu.memref_slice %arg3[%dma_start3A_24, %dma_start3A_25] : memref<100000x256xf32, #tpu.memory_space<hbm>> -> memref<100000x256xf32, #tpu.memory_space<hbm>>
    tpu.enqueue_indirect_dma source(%dma_start3A_26 : memref<100000x256xf32, #tpu.memory_space<hbm>>) target(%arg13 : memref<128x256xf32, #tpu.memory_space<vmem>>) offsets(%dma_start3A_23 : memref<128xi32, #tpu.memory_space<vmem>>) semaphore(%arg15 : memref<!tpu.dma_semaphore, #tpu.memory_space<semaphore_mem>>)
    %dma_start3A_27 = arith.constant 384 : i32
    %dma_start3A_28 = tpu.memref_slice %arg7[%dma_start3A_27] : memref<512xi32, #tpu.memory_space<vmem>> -> memref<120xi32, #tpu.memory_space<vmem>>
    %dma_start3A_29 = arith.constant 0 : i32
    %dma_start3A_30 = arith.constant 0 : i32
    %dma_start3A_31 = tpu.memref_slice %arg3[%dma_start3A_29, %dma_start3A_30] : memref<100000x256xf32, #tpu.memory_space<hbm>> -> memref<100000x256xf32, #tpu.memory_space<hbm>>
    tpu.enqueue_indirect_dma source(%dma_start3A_31 : memref<100000x256xf32, #tpu.memory_space<hbm>>) target(%arg14 : memref<120x256xf32, #tpu.memory_space<vmem>>) offsets(%dma_start3A_28 : memref<120xi32, #tpu.memory_space<vmem>>) semaphore(%arg15 : memref<!tpu.dma_semaphore, #tpu.memory_space<semaphore_mem>>)
    %dma_start3A_32 = arith.constant 0 : i32
    %dma_start3A_33 = tpu.memref_slice %arg8[%dma_start3A_32] : memref<512xi32, #tpu.memory_space<vmem>> -> memref<128xi32, #tpu.memory_space<vmem>>
    %dma_start3A_34 = arith.constant 0 : i32
    %dma_start3A_35 = tpu.memref_slice %arg7[%dma_start3A_34] : memref<512xi32, #tpu.memory_space<vmem>> -> memref<128xi32, #tpu.memory_space<vmem>>
    %dma_start3A_36 = arith.constant 0 : i32
    %dma_start3A_37 = tpu.memref_slice %arg4[%dma_start3A_36] : memref<100000xi32, #tpu.memory_space<hbm>> -> memref<100000xi32, #tpu.memory_space<hbm>>
    tpu.enqueue_indirect_dma source(%dma_start3A_37 : memref<100000xi32, #tpu.memory_space<hbm>>) target(%dma_start3A_33 : memref<128xi32, #tpu.memory_space<vmem>>) offsets(%dma_start3A_35 : memref<128xi32, #tpu.memory_space<vmem>>) semaphore(%arg16 : memref<!tpu.dma_semaphore, #tpu.memory_space<semaphore_mem>>)
    %dma_start3A_38 = arith.constant 128 : i32
    %dma_start3A_39 = tpu.memref_slice %arg8[%dma_start3A_38] : memref<512xi32, #tpu.memory_space<vmem>> -> memref<128xi32, #tpu.memory_space<vmem>>
    %dma_start3A_40 = arith.constant 128 : i32
    %dma_start3A_41 = tpu.memref_slice %arg7[%dma_start3A_40] : memref<512xi32, #tpu.memory_space<vmem>> -> memref<128xi32, #tpu.memory_space<vmem>>
    %dma_start3A_42 = arith.constant 0 : i32
    %dma_start3A_43 = tpu.memref_slice %arg4[%dma_start3A_42] : memref<100000xi32, #tpu.memory_space<hbm>> -> memref<100000xi32, #tpu.memory_space<hbm>>
    tpu.enqueue_indirect_dma source(%dma_start3A_43 : memref<100000xi32, #tpu.memory_space<hbm>>) target(%dma_start3A_39 : memref<128xi32, #tpu.memory_space<vmem>>) offsets(%dma_start3A_41 : memref<128xi32, #tpu.memory_space<vmem>>) semaphore(%arg16 : memref<!tpu.dma_semaphore, #tpu.memory_space<semaphore_mem>>)
    %dma_start3A_44 = arith.constant 256 : i32
    %dma_start3A_45 = tpu.memref_slice %arg8[%dma_start3A_44] : memref<512xi32, #tpu.memory_space<vmem>> -> memref<128xi32, #tpu.memory_space<vmem>>
    %dma_start3A_46 = arith.constant 256 : i32
    %dma_start3A_47 = tpu.memref_slice %arg7[%dma_start3A_46] : memref<512xi32, #tpu.memory_space<vmem>> -> memref<128xi32, #tpu.memory_space<vmem>>
    %dma_start3A_48 = arith.constant 0 : i32
    %dma_start3A_49 = tpu.memref_slice %arg4[%dma_start3A_48] : memref<100000xi32, #tpu.memory_space<hbm>> -> memref<100000xi32, #tpu.memory_space<hbm>>
    tpu.enqueue_indirect_dma source(%dma_start3A_49 : memref<100000xi32, #tpu.memory_space<hbm>>) target(%dma_start3A_45 : memref<128xi32, #tpu.memory_space<vmem>>) offsets(%dma_start3A_47 : memref<128xi32, #tpu.memory_space<vmem>>) semaphore(%arg16 : memref<!tpu.dma_semaphore, #tpu.memory_space<semaphore_mem>>)
    %dma_start3A_50 = arith.constant 384 : i32
    %dma_start3A_51 = tpu.memref_slice %arg8[%dma_start3A_50] : memref<512xi32, #tpu.memory_space<vmem>> -> memref<128xi32, #tpu.memory_space<vmem>>
    %dma_start3A_52 = arith.constant 384 : i32
    %dma_start3A_53 = tpu.memref_slice %arg7[%dma_start3A_52] : memref<512xi32, #tpu.memory_space<vmem>> -> memref<128xi32, #tpu.memory_space<vmem>>
    %dma_start3A_54 = arith.constant 0 : i32
    %dma_start3A_55 = tpu.memref_slice %arg4[%dma_start3A_54] : memref<100000xi32, #tpu.memory_space<hbm>> -> memref<100000xi32, #tpu.memory_space<hbm>>
    tpu.enqueue_indirect_dma source(%dma_start3A_55 : memref<100000xi32, #tpu.memory_space<hbm>>) target(%dma_start3A_51 : memref<128xi32, #tpu.memory_space<vmem>>) offsets(%dma_start3A_53 : memref<128xi32, #tpu.memory_space<vmem>>) semaphore(%arg16 : memref<!tpu.dma_semaphore, #tpu.memory_space<semaphore_mem>>)
    %dma_wait3A = arith.constant 0 : i32
    %dma_wait3A_56 = tpu.memref_slice %arg7[%dma_wait3A] : memref<512xi32, #tpu.memory_space<vmem>> -> memref<32xi32, #tpu.memory_space<vmem>>
    %dma_wait3A_57 = arith.constant 0 : i32
    %dma_wait3A_58 = arith.constant 0 : i32
    %dma_wait3A_59 = tpu.memref_slice %arg3[%dma_wait3A_57, %dma_wait3A_58] : memref<100000x256xf32, #tpu.memory_space<hbm>> -> memref<100000x256xf32, #tpu.memory_space<hbm>>
    tpu.wait_indirect_dma semaphore(%arg15 : memref<!tpu.dma_semaphore, #tpu.memory_space<semaphore_mem>>) src(%dma_wait3A_59 : memref<100000x256xf32, #tpu.memory_space<hbm>>) dst(%arg9 : memref<32x256xf32, #tpu.memory_space<vmem>>)
    %add3A_60 = arith.constant 0 : i32
    %add3A_61 = arith.addi %mul3A_2, %add3A_60 : i32
    %dma_start3A_62 = arith.constant 0 : i32
    %dma_start3A_63 = tpu.memref_slice %arg5[%add3A_61, %dma_start3A_62] : memref<16384x256xf32, #tpu.memory_space<hbm>> -> memref<32x256xf32, #tpu.memory_space<hbm>>
    %dma_start3A_64 = arith.constant 0 : i32
    %dma_start3A_65 = tpu.memref_slice %arg5[%add3A_61, %dma_start3A_64] : memref<16384x256xf32, #tpu.memory_space<hbm>> -> memref<32x256xf32, #tpu.memory_space<hbm>>
    tpu.enqueue_dma source(%arg9 : memref<32x256xf32, #tpu.memory_space<vmem>>) target(%dma_start3A_65 : memref<32x256xf32, #tpu.memory_space<hbm>>) target_semaphore(%arg17 : memref<!tpu.dma_semaphore, #tpu.memory_space<semaphore_mem>>)
    %dma_wait3A_66 = arith.constant 32 : i32
    %dma_wait3A_67 = tpu.memref_slice %arg7[%dma_wait3A_66] : memref<512xi32, #tpu.memory_space<vmem>> -> memref<32xi32, #tpu.memory_space<vmem>>
    %dma_wait3A_68 = arith.constant 0 : i32
    %dma_wait3A_69 = arith.constant 0 : i32
    %dma_wait3A_70 = tpu.memref_slice %arg3[%dma_wait3A_68, %dma_wait3A_69] : memref<100000x256xf32, #tpu.memory_space<hbm>> -> memref<100000x256xf32, #tpu.memory_space<hbm>>
    tpu.wait_indirect_dma semaphore(%arg15 : memref<!tpu.dma_semaphore, #tpu.memory_space<semaphore_mem>>) src(%dma_wait3A_70 : memref<100000x256xf32, #tpu.memory_space<hbm>>) dst(%arg10 : memref<32x256xf32, #tpu.memory_space<vmem>>)
    %add3A_71 = arith.constant 32 : i32
    %add3A_72 = arith.addi %mul3A_2, %add3A_71 : i32
    %dma_start3A_73 = arith.constant 0 : i32
    %dma_start3A_74 = tpu.memref_slice %arg5[%add3A_72, %dma_start3A_73] : memref<16384x256xf32, #tpu.memory_space<hbm>> -> memref<32x256xf32, #tpu.memory_space<hbm>>
    %dma_start3A_75 = arith.constant 0 : i32
    %dma_start3A_76 = tpu.memref_slice %arg5[%add3A_72, %dma_start3A_75] : memref<16384x256xf32, #tpu.memory_space<hbm>> -> memref<32x256xf32, #tpu.memory_space<hbm>>
    tpu.enqueue_dma source(%arg10 : memref<32x256xf32, #tpu.memory_space<vmem>>) target(%dma_start3A_76 : memref<32x256xf32, #tpu.memory_space<hbm>>) target_semaphore(%arg17 : memref<!tpu.dma_semaphore, #tpu.memory_space<semaphore_mem>>)
    %dma_wait3A_77 = arith.constant 64 : i32
    %dma_wait3A_78 = tpu.memref_slice %arg7[%dma_wait3A_77] : memref<512xi32, #tpu.memory_space<vmem>> -> memref<64xi32, #tpu.memory_space<vmem>>
    %dma_wait3A_79 = arith.constant 0 : i32
    %dma_wait3A_80 = arith.constant 0 : i32
    %dma_wait3A_81 = tpu.memref_slice %arg3[%dma_wait3A_79, %dma_wait3A_80] : memref<100000x256xf32, #tpu.memory_space<hbm>> -> memref<100000x256xf32, #tpu.memory_space<hbm>>
    tpu.wait_indirect_dma semaphore(%arg15 : memref<!tpu.dma_semaphore, #tpu.memory_space<semaphore_mem>>) src(%dma_wait3A_81 : memref<100000x256xf32, #tpu.memory_space<hbm>>) dst(%arg11 : memref<64x256xf32, #tpu.memory_space<vmem>>)
    %add3A_82 = arith.constant 64 : i32
    %add3A_83 = arith.addi %mul3A_2, %add3A_82 : i32
    %dma_start3A_84 = arith.constant 0 : i32
    %dma_start3A_85 = tpu.memref_slice %arg5[%add3A_83, %dma_start3A_84] : memref<16384x256xf32, #tpu.memory_space<hbm>> -> memref<64x256xf32, #tpu.memory_space<hbm>>
    %dma_start3A_86 = arith.constant 0 : i32
    %dma_start3A_87 = tpu.memref_slice %arg5[%add3A_83, %dma_start3A_86] : memref<16384x256xf32, #tpu.memory_space<hbm>> -> memref<64x256xf32, #tpu.memory_space<hbm>>
    tpu.enqueue_dma source(%arg11 : memref<64x256xf32, #tpu.memory_space<vmem>>) target(%dma_start3A_87 : memref<64x256xf32, #tpu.memory_space<hbm>>) target_semaphore(%arg17 : memref<!tpu.dma_semaphore, #tpu.memory_space<semaphore_mem>>)
    %dma_wait3A_88 = arith.constant 128 : i32
    %dma_wait3A_89 = tpu.memref_slice %arg7[%dma_wait3A_88] : memref<512xi32, #tpu.memory_space<vmem>> -> memref<128xi32, #tpu.memory_space<vmem>>
    %dma_wait3A_90 = arith.constant 0 : i32
    %dma_wait3A_91 = arith.constant 0 : i32
    %dma_wait3A_92 = tpu.memref_slice %arg3[%dma_wait3A_90, %dma_wait3A_91] : memref<100000x256xf32, #tpu.memory_space<hbm>> -> memref<100000x256xf32, #tpu.memory_space<hbm>>
    tpu.wait_indirect_dma semaphore(%arg15 : memref<!tpu.dma_semaphore, #tpu.memory_space<semaphore_mem>>) src(%dma_wait3A_92 : memref<100000x256xf32, #tpu.memory_space<hbm>>) dst(%arg12 : memref<128x256xf32, #tpu.memory_space<vmem>>)
    %add3A_93 = arith.constant 128 : i32
    %add3A_94 = arith.addi %mul3A_2, %add3A_93 : i32
    %dma_start3A_95 = arith.constant 0 : i32
    %dma_start3A_96 = tpu.memref_slice %arg5[%add3A_94, %dma_start3A_95] : memref<16384x256xf32, #tpu.memory_space<hbm>> -> memref<128x256xf32, #tpu.memory_space<hbm>>
    %dma_start3A_97 = arith.constant 0 : i32
    %dma_start3A_98 = tpu.memref_slice %arg5[%add3A_94, %dma_start3A_97] : memref<16384x256xf32, #tpu.memory_space<hbm>> -> memref<128x256xf32, #tpu.memory_space<hbm>>
    tpu.enqueue_dma source(%arg12 : memref<128x256xf32, #tpu.memory_space<vmem>>) target(%dma_start3A_98 : memref<128x256xf32, #tpu.memory_space<hbm>>) target_semaphore(%arg17 : memref<!tpu.dma_semaphore, #tpu.memory_space<semaphore_mem>>)
    %dma_wait3A_99 = arith.constant 256 : i32
    %dma_wait3A_100 = tpu.memref_slice %arg7[%dma_wait3A_99] : memref<512xi32, #tpu.memory_space<vmem>> -> memref<128xi32, #tpu.memory_space<vmem>>
    %dma_wait3A_101 = arith.constant 0 : i32
    %dma_wait3A_102 = arith.constant 0 : i32
    %dma_wait3A_103 = tpu.memref_slice %arg3[%dma_wait3A_101, %dma_wait3A_102] : memref<100000x256xf32, #tpu.memory_space<hbm>> -> memref<100000x256xf32, #tpu.memory_space<hbm>>
    tpu.wait_indirect_dma semaphore(%arg15 : memref<!tpu.dma_semaphore, #tpu.memory_space<semaphore_mem>>) src(%dma_wait3A_103 : memref<100000x256xf32, #tpu.memory_space<hbm>>) dst(%arg13 : memref<128x256xf32, #tpu.memory_space<vmem>>)
    %add3A_104 = arith.constant 256 : i32
    %add3A_105 = arith.addi %mul3A_2, %add3A_104 : i32
    %dma_start3A_106 = arith.constant 0 : i32
    %dma_start3A_107 = tpu.memref_slice %arg5[%add3A_105, %dma_start3A_106] : memref<16384x256xf32, #tpu.memory_space<hbm>> -> memref<128x256xf32, #tpu.memory_space<hbm>>
    %dma_start3A_108 = arith.constant 0 : i32
    %dma_start3A_109 = tpu.memref_slice %arg5[%add3A_105, %dma_start3A_108] : memref<16384x256xf32, #tpu.memory_space<hbm>> -> memref<128x256xf32, #tpu.memory_space<hbm>>
    tpu.enqueue_dma source(%arg13 : memref<128x256xf32, #tpu.memory_space<vmem>>) target(%dma_start3A_109 : memref<128x256xf32, #tpu.memory_space<hbm>>) target_semaphore(%arg17 : memref<!tpu.dma_semaphore, #tpu.memory_space<semaphore_mem>>)
    %dma_wait3A_110 = arith.constant 384 : i32
    %dma_wait3A_111 = tpu.memref_slice %arg7[%dma_wait3A_110] : memref<512xi32, #tpu.memory_space<vmem>> -> memref<120xi32, #tpu.memory_space<vmem>>
    %dma_wait3A_112 = arith.constant 0 : i32
    %dma_wait3A_113 = arith.constant 0 : i32
    %dma_wait3A_114 = tpu.memref_slice %arg3[%dma_wait3A_112, %dma_wait3A_113] : memref<100000x256xf32, #tpu.memory_space<hbm>> -> memref<100000x256xf32, #tpu.memory_space<hbm>>
    tpu.wait_indirect_dma semaphore(%arg15 : memref<!tpu.dma_semaphore, #tpu.memory_space<semaphore_mem>>) src(%dma_wait3A_114 : memref<100000x256xf32, #tpu.memory_space<hbm>>) dst(%arg14 : memref<120x256xf32, #tpu.memory_space<vmem>>)
    %add3A_115 = arith.constant 384 : i32
    %add3A_116 = arith.addi %mul3A_2, %add3A_115 : i32
    %dma_start3A_117 = arith.constant 0 : i32
    %dma_start3A_118 = tpu.memref_slice %arg5[%add3A_116, %dma_start3A_117] : memref<16384x256xf32, #tpu.memory_space<hbm>> -> memref<120x256xf32, #tpu.memory_space<hbm>>
    %dma_start3A_119 = arith.constant 0 : i32
    %dma_start3A_120 = tpu.memref_slice %arg5[%add3A_116, %dma_start3A_119] : memref<16384x256xf32, #tpu.memory_space<hbm>> -> memref<120x256xf32, #tpu.memory_space<hbm>>
    tpu.enqueue_dma source(%arg14 : memref<120x256xf32, #tpu.memory_space<vmem>>) target(%dma_start3A_120 : memref<120x256xf32, #tpu.memory_space<hbm>>) target_semaphore(%arg17 : memref<!tpu.dma_semaphore, #tpu.memory_space<semaphore_mem>>)
    %dma_wait3A_121 = arith.constant 0 : i32
    %dma_wait3A_122 = tpu.memref_slice %arg5[%add3A_61, %dma_wait3A_121] : memref<16384x256xf32, #tpu.memory_space<hbm>> -> memref<32x256xf32, #tpu.memory_space<hbm>>
    %dma_wait3A_123 = arith.constant 0 : i32
    %dma_wait3A_124 = tpu.memref_slice %arg5[%add3A_61, %dma_wait3A_123] : memref<16384x256xf32, #tpu.memory_space<hbm>> -> memref<32x256xf32, #tpu.memory_space<hbm>>
    tpu.wait_dma2 semaphore(%arg17 : memref<!tpu.dma_semaphore, #tpu.memory_space<semaphore_mem>>) src(%arg9 : memref<32x256xf32, #tpu.memory_space<vmem>>) dst(%dma_wait3A_124 : memref<32x256xf32, #tpu.memory_space<hbm>>)
    %dma_start3A_125 = arith.constant 0 : i32
    %dma_start3A_126 = arith.constant 0 : i32
    %dma_start3A_127 = tpu.memref_slice %arg9[%dma_start3A_125, %dma_start3A_126] : memref<32x256xf32, #tpu.memory_space<vmem>> -> memref<8x256xf32, #tpu.memory_space<vmem>>
    %dma_start3A_128 = arith.constant 504 : i32
    %dma_start3A_129 = tpu.memref_slice %arg7[%dma_start3A_128] : memref<512xi32, #tpu.memory_space<vmem>> -> memref<8xi32, #tpu.memory_space<vmem>>
    %dma_start3A_130 = arith.constant 0 : i32
    %dma_start3A_131 = arith.constant 0 : i32
    %dma_start3A_132 = tpu.memref_slice %arg3[%dma_start3A_130, %dma_start3A_131] : memref<100000x256xf32, #tpu.memory_space<hbm>> -> memref<100000x256xf32, #tpu.memory_space<hbm>>
    tpu.enqueue_indirect_dma source(%dma_start3A_132 : memref<100000x256xf32, #tpu.memory_space<hbm>>) target(%dma_start3A_127 : memref<8x256xf32, #tpu.memory_space<vmem>>) offsets(%dma_start3A_129 : memref<8xi32, #tpu.memory_space<vmem>>) semaphore(%arg15 : memref<!tpu.dma_semaphore, #tpu.memory_space<semaphore_mem>>)
    %dma_wait3A_133 = arith.constant 0 : i32
    %dma_wait3A_134 = arith.constant 0 : i32
    %dma_wait3A_135 = tpu.memref_slice %arg9[%dma_wait3A_133, %dma_wait3A_134] : memref<32x256xf32, #tpu.memory_space<vmem>> -> memref<8x256xf32, #tpu.memory_space<vmem>>
    %dma_wait3A_136 = arith.constant 504 : i32
    %dma_wait3A_137 = tpu.memref_slice %arg7[%dma_wait3A_136] : memref<512xi32, #tpu.memory_space<vmem>> -> memref<8xi32, #tpu.memory_space<vmem>>
    %dma_wait3A_138 = arith.constant 0 : i32
    %dma_wait3A_139 = arith.constant 0 : i32
    %dma_wait3A_140 = tpu.memref_slice %arg3[%dma_wait3A_138, %dma_wait3A_139] : memref<100000x256xf32, #tpu.memory_space<hbm>> -> memref<100000x256xf32, #tpu.memory_space<hbm>>
    tpu.wait_indirect_dma semaphore(%arg15 : memref<!tpu.dma_semaphore, #tpu.memory_space<semaphore_mem>>) src(%dma_wait3A_140 : memref<100000x256xf32, #tpu.memory_space<hbm>>) dst(%dma_wait3A_135 : memref<8x256xf32, #tpu.memory_space<vmem>>)
    %add3A_141 = arith.constant 504 : i32
    %add3A_142 = arith.addi %mul3A_2, %add3A_141 : i32
    %dma_start3A_143 = arith.constant 0 : i32
    %dma_start3A_144 = arith.constant 0 : i32
    %dma_start3A_145 = tpu.memref_slice %arg9[%dma_start3A_143, %dma_start3A_144] : memref<32x256xf32, #tpu.memory_space<vmem>> -> memref<8x256xf32, #tpu.memory_space<vmem>>
    %dma_start3A_146 = arith.constant 0 : i32
    %dma_start3A_147 = tpu.memref_slice %arg5[%add3A_142, %dma_start3A_146] : memref<16384x256xf32, #tpu.memory_space<hbm>> -> memref<8x256xf32, #tpu.memory_space<hbm>>
    %dma_start3A_148 = arith.constant 0 : i32
    %dma_start3A_149 = tpu.memref_slice %arg5[%add3A_142, %dma_start3A_148] : memref<16384x256xf32, #tpu.memory_space<hbm>> -> memref<8x256xf32, #tpu.memory_space<hbm>>
    %dma_start3A_150 = arith.constant 0 : i32
    %dma_start3A_151 = arith.constant 0 : i32
    %dma_start3A_152 = tpu.memref_slice %arg9[%dma_start3A_150, %dma_start3A_151] : memref<32x256xf32, #tpu.memory_space<vmem>> -> memref<8x256xf32, #tpu.memory_space<vmem>>
    tpu.enqueue_dma source(%dma_start3A_152 : memref<8x256xf32, #tpu.memory_space<vmem>>) target(%dma_start3A_149 : memref<8x256xf32, #tpu.memory_space<hbm>>) target_semaphore(%arg17 : memref<!tpu.dma_semaphore, #tpu.memory_space<semaphore_mem>>)
    %dma_wait3A_153 = arith.constant 0 : i32
    %dma_wait3A_154 = tpu.memref_slice %arg8[%dma_wait3A_153] : memref<512xi32, #tpu.memory_space<vmem>> -> memref<128xi32, #tpu.memory_space<vmem>>
    %dma_wait3A_155 = arith.constant 0 : i32
    %dma_wait3A_156 = tpu.memref_slice %arg7[%dma_wait3A_155] : memref<512xi32, #tpu.memory_space<vmem>> -> memref<128xi32, #tpu.memory_space<vmem>>
    %dma_wait3A_157 = arith.constant 0 : i32
    %dma_wait3A_158 = tpu.memref_slice %arg4[%dma_wait3A_157] : memref<100000xi32, #tpu.memory_space<hbm>> -> memref<100000xi32, #tpu.memory_space<hbm>>
    tpu.wait_indirect_dma semaphore(%arg16 : memref<!tpu.dma_semaphore, #tpu.memory_space<semaphore_mem>>) src(%dma_wait3A_158 : memref<100000xi32, #tpu.memory_space<hbm>>) dst(%dma_wait3A_154 : memref<128xi32, #tpu.memory_space<vmem>>)
    %dma_wait3A_159 = arith.constant 128 : i32
    %dma_wait3A_160 = tpu.memref_slice %arg8[%dma_wait3A_159] : memref<512xi32, #tpu.memory_space<vmem>> -> memref<128xi32, #tpu.memory_space<vmem>>
    %dma_wait3A_161 = arith.constant 128 : i32
    %dma_wait3A_162 = tpu.memref_slice %arg7[%dma_wait3A_161] : memref<512xi32, #tpu.memory_space<vmem>> -> memref<128xi32, #tpu.memory_space<vmem>>
    %dma_wait3A_163 = arith.constant 0 : i32
    %dma_wait3A_164 = tpu.memref_slice %arg4[%dma_wait3A_163] : memref<100000xi32, #tpu.memory_space<hbm>> -> memref<100000xi32, #tpu.memory_space<hbm>>
    tpu.wait_indirect_dma semaphore(%arg16 : memref<!tpu.dma_semaphore, #tpu.memory_space<semaphore_mem>>) src(%dma_wait3A_164 : memref<100000xi32, #tpu.memory_space<hbm>>) dst(%dma_wait3A_160 : memref<128xi32, #tpu.memory_space<vmem>>)
    %dma_wait3A_165 = arith.constant 256 : i32
    %dma_wait3A_166 = tpu.memref_slice %arg8[%dma_wait3A_165] : memref<512xi32, #tpu.memory_space<vmem>> -> memref<128xi32, #tpu.memory_space<vmem>>
    %dma_wait3A_167 = arith.constant 256 : i32
    %dma_wait3A_168 = tpu.memref_slice %arg7[%dma_wait3A_167] : memref<512xi32, #tpu.memory_space<vmem>> -> memref<128xi32, #tpu.memory_space<vmem>>
    %dma_wait3A_169 = arith.constant 0 : i32
    %dma_wait3A_170 = tpu.memref_slice %arg4[%dma_wait3A_169] : memref<100000xi32, #tpu.memory_space<hbm>> -> memref<100000xi32, #tpu.memory_space<hbm>>
    tpu.wait_indirect_dma semaphore(%arg16 : memref<!tpu.dma_semaphore, #tpu.memory_space<semaphore_mem>>) src(%dma_wait3A_170 : memref<100000xi32, #tpu.memory_space<hbm>>) dst(%dma_wait3A_166 : memref<128xi32, #tpu.memory_space<vmem>>)
    %dma_wait3A_171 = arith.constant 384 : i32
    %dma_wait3A_172 = tpu.memref_slice %arg8[%dma_wait3A_171] : memref<512xi32, #tpu.memory_space<vmem>> -> memref<128xi32, #tpu.memory_space<vmem>>
    %dma_wait3A_173 = arith.constant 384 : i32
    %dma_wait3A_174 = tpu.memref_slice %arg7[%dma_wait3A_173] : memref<512xi32, #tpu.memory_space<vmem>> -> memref<128xi32, #tpu.memory_space<vmem>>
    %dma_wait3A_175 = arith.constant 0 : i32
    %dma_wait3A_176 = tpu.memref_slice %arg4[%dma_wait3A_175] : memref<100000xi32, #tpu.memory_space<hbm>> -> memref<100000xi32, #tpu.memory_space<hbm>>
    tpu.wait_indirect_dma semaphore(%arg16 : memref<!tpu.dma_semaphore, #tpu.memory_space<semaphore_mem>>) src(%dma_wait3A_176 : memref<100000xi32, #tpu.memory_space<hbm>>) dst(%dma_wait3A_172 : memref<128xi32, #tpu.memory_space<vmem>>)
    %dma_start3A_177 = tpu.memref_slice %arg6[%mul3A_2] : memref<16384xi32, #tpu.memory_space<hbm>> -> memref<512xi32, #tpu.memory_space<hbm>>
    %dma_start3A_178 = tpu.memref_slice %arg6[%mul3A_2] : memref<16384xi32, #tpu.memory_space<hbm>> -> memref<512xi32, #tpu.memory_space<hbm>>
    tpu.enqueue_dma source(%arg8 : memref<512xi32, #tpu.memory_space<vmem>>) target(%dma_start3A_178 : memref<512xi32, #tpu.memory_space<hbm>>) target_semaphore(%arg16 : memref<!tpu.dma_semaphore, #tpu.memory_space<semaphore_mem>>)
    %dma_wait3A_179 = arith.constant 0 : i32
    %dma_wait3A_180 = tpu.memref_slice %arg5[%add3A_72, %dma_wait3A_179] : memref<16384x256xf32, #tpu.memory_space<hbm>> -> memref<32x256xf32, #tpu.memory_space<hbm>>
    %dma_wait3A_181 = arith.constant 0 : i32
    %dma_wait3A_182 = tpu.memref_slice %arg5[%add3A_72, %dma_wait3A_181] : memref<16384x256xf32, #tpu.memory_space<hbm>> -> memref<32x256xf32, #tpu.memory_space<hbm>>
    tpu.wait_dma2 semaphore(%arg17 : memref<!tpu.dma_semaphore, #tpu.memory_space<semaphore_mem>>) src(%arg10 : memref<32x256xf32, #tpu.memory_space<vmem>>) dst(%dma_wait3A_182 : memref<32x256xf32, #tpu.memory_space<hbm>>)
    %dma_wait3A_183 = arith.constant 0 : i32
    %dma_wait3A_184 = tpu.memref_slice %arg5[%add3A_83, %dma_wait3A_183] : memref<16384x256xf32, #tpu.memory_space<hbm>> -> memref<64x256xf32, #tpu.memory_space<hbm>>
    %dma_wait3A_185 = arith.constant 0 : i32
    %dma_wait3A_186 = tpu.memref_slice %arg5[%add3A_83, %dma_wait3A_185] : memref<16384x256xf32, #tpu.memory_space<hbm>> -> memref<64x256xf32, #tpu.memory_space<hbm>>
    tpu.wait_dma2 semaphore(%arg17 : memref<!tpu.dma_semaphore, #tpu.memory_space<semaphore_mem>>) src(%arg11 : memref<64x256xf32, #tpu.memory_space<vmem>>) dst(%dma_wait3A_186 : memref<64x256xf32, #tpu.memory_space<hbm>>)
    %dma_wait3A_187 = arith.constant 0 : i32
    %dma_wait3A_188 = tpu.memref_slice %arg5[%add3A_94, %dma_wait3A_187] : memref<16384x256xf32, #tpu.memory_space<hbm>> -> memref<128x256xf32, #tpu.memory_space<hbm>>
    %dma_wait3A_189 = arith.constant 0 : i32
    %dma_wait3A_190 = tpu.memref_slice %arg5[%add3A_94, %dma_wait3A_189] : memref<16384x256xf32, #tpu.memory_space<hbm>> -> memref<128x256xf32, #tpu.memory_space<hbm>>
    tpu.wait_dma2 semaphore(%arg17 : memref<!tpu.dma_semaphore, #tpu.memory_space<semaphore_mem>>) src(%arg12 : memref<128x256xf32, #tpu.memory_space<vmem>>) dst(%dma_wait3A_190 : memref<128x256xf32, #tpu.memory_space<hbm>>)
    %dma_wait3A_191 = arith.constant 0 : i32
    %dma_wait3A_192 = tpu.memref_slice %arg5[%add3A_105, %dma_wait3A_191] : memref<16384x256xf32, #tpu.memory_space<hbm>> -> memref<128x256xf32, #tpu.memory_space<hbm>>
    %dma_wait3A_193 = arith.constant 0 : i32
    %dma_wait3A_194 = tpu.memref_slice %arg5[%add3A_105, %dma_wait3A_193] : memref<16384x256xf32, #tpu.memory_space<hbm>> -> memref<128x256xf32, #tpu.memory_space<hbm>>
    tpu.wait_dma2 semaphore(%arg17 : memref<!tpu.dma_semaphore, #tpu.memory_space<semaphore_mem>>) src(%arg13 : memref<128x256xf32, #tpu.memory_space<vmem>>) dst(%dma_wait3A_194 : memref<128x256xf32, #tpu.memory_space<hbm>>)
    %dma_wait3A_195 = arith.constant 0 : i32
    %dma_wait3A_196 = tpu.memref_slice %arg5[%add3A_116, %dma_wait3A_195] : memref<16384x256xf32, #tpu.memory_space<hbm>> -> memref<120x256xf32, #tpu.memory_space<hbm>>
    %dma_wait3A_197 = arith.constant 0 : i32
    %dma_wait3A_198 = tpu.memref_slice %arg5[%add3A_116, %dma_wait3A_197] : memref<16384x256xf32, #tpu.memory_space<hbm>> -> memref<120x256xf32, #tpu.memory_space<hbm>>
    tpu.wait_dma2 semaphore(%arg17 : memref<!tpu.dma_semaphore, #tpu.memory_space<semaphore_mem>>) src(%arg14 : memref<120x256xf32, #tpu.memory_space<vmem>>) dst(%dma_wait3A_198 : memref<120x256xf32, #tpu.memory_space<hbm>>)
    %dma_wait3A_199 = arith.constant 0 : i32
    %dma_wait3A_200 = arith.constant 0 : i32
    %dma_wait3A_201 = tpu.memref_slice %arg9[%dma_wait3A_199, %dma_wait3A_200] : memref<32x256xf32, #tpu.memory_space<vmem>> -> memref<8x256xf32, #tpu.memory_space<vmem>>
    %dma_wait3A_202 = arith.constant 0 : i32
    %dma_wait3A_203 = tpu.memref_slice %arg5[%add3A_142, %dma_wait3A_202] : memref<16384x256xf32, #tpu.memory_space<hbm>> -> memref<8x256xf32, #tpu.memory_space<hbm>>
    %dma_wait3A_204 = arith.constant 0 : i32
    %dma_wait3A_205 = tpu.memref_slice %arg5[%add3A_142, %dma_wait3A_204] : memref<16384x256xf32, #tpu.memory_space<hbm>> -> memref<8x256xf32, #tpu.memory_space<hbm>>
    %dma_wait3A_206 = arith.constant 0 : i32
    %dma_wait3A_207 = arith.constant 0 : i32
    %dma_wait3A_208 = tpu.memref_slice %arg9[%dma_wait3A_206, %dma_wait3A_207] : memref<32x256xf32, #tpu.memory_space<vmem>> -> memref<8x256xf32, #tpu.memory_space<vmem>>
    tpu.wait_dma2 semaphore(%arg17 : memref<!tpu.dma_semaphore, #tpu.memory_space<semaphore_mem>>) src(%dma_wait3A_208 : memref<8x256xf32, #tpu.memory_space<vmem>>) dst(%dma_wait3A_205 : memref<8x256xf32, #tpu.memory_space<hbm>>)
    %dma_wait3A_209 = tpu.memref_slice %arg6[%mul3A_2] : memref<16384xi32, #tpu.memory_space<hbm>> -> memref<512xi32, #tpu.memory_space<hbm>>
    %dma_wait3A_210 = tpu.memref_slice %arg6[%mul3A_2] : memref<16384xi32, #tpu.memory_space<hbm>> -> memref<512xi32, #tpu.memory_space<hbm>>
    tpu.wait_dma2 semaphore(%arg16 : memref<!tpu.dma_semaphore, #tpu.memory_space<semaphore_mem>>) src(%arg8 : memref<512xi32, #tpu.memory_space<vmem>>) dst(%dma_wait3A_210 : memref<512xi32, #tpu.memory_space<hbm>>)
    return
  }
}

</mosaic_0001>

<sc_bundles>
// kernel: kernel.3.cloned.1.call-start
scs
__scs_entry_jumppad:
0x0: {  	(pc) =	sbr.rel $0x88, $3  }
0x1: {  	(tag) =	ssettag $0x0;
	lr =	simm.s32 $0x1  }
0x2: {  	[smem:$0x3F9E] =	sst lr;
	_ =	strace $0xD0000000  }
0x3: {  	_ = 	snop  }
0x4: {  	_ = 	snop  }
0x5: {  	_ = 	snop  }
0x6: {  	_ = 	snop  }
0x7: {  	_ = 	snop  }
__scs_overlays_trampoline_lowered:
0x8: {  	[smem:$0x3FAD] =	sst s0  }
0x9: {  	[smem:$0x3FAE] =	sst s1  }
0xa: {  	[smem:$0x3FAF] =	sst s2  }
0xb: {  	[smem:$0x3FB0] =	sst s3  }
0xc: {  	[smem:$0x3FB1] =	sst s4  }
0xd: {  	[smem:$0x3FB2] =	sst s5  }
0xe: {  	[smem:$0x3FB3] =	sst s6  }
0xf: {  	[smem:$0x3FB4] =	sst s7  }
0x10: {  	[smem:$0x3FB5] =	sst s8  }
0x11: {  	[smem:$0x3FB6] =	sst s9;
	s0 =	simm.s32 @!p0 $0x0  }
0x12: {  	s1 =	sld [smem:$0x3F9C];
	s0 =	simm.s32 @p0 $0x1  }
0x13: {  	[smem:$0x3FB7] =	sst s0;
	s0 =	simm.s32 @!p1 $0x0  }
0x14: {  	s2 =	sld [smem:$0x3F9B];
	s0 =	simm.s32 @p1 $0x1  }
0x15: {  	[smem:$0x3FB8] =	sst s0;
	s0 =	simm.s32 @!p2 $0x0  }
0x16: {  	s3 =	sld [smem:$0x3FDB];
	s0 =	simm.s32 @p2 $0x1  }
0x17: {  	s4 =	simm.s32 $0x1BF5;
	[smem:$0x3FBA] =	sst s0  }
0x18: {  	s0 =	sld [smem:$0x3F9D];
	_ =	swait.ge [sflag:s4], $0x0  }
0x19: {  	s7 =	sld [smem:$0x3F9E]  }
0x1a: {  	s8 =	sadd.s32 $0xFFFFE003, lr  }
0x1b: {  	s9 =	sadd.s32 $0xFFFFFEF7, lr;
	s5 =	simm.s32 $0xFFFFFFFF;
	p2 =	slt.u32 s8, $0xFFFFF086  }
0x1c: {  	p1 =	slt.u32 s9, $0xF7A;
	s5 =	simm.s32 @!p2 $0x0  }
0x1d: {  	s5 =	simm.s32 @p1 $0x1;
	p0 =	seq.s32 s7, s2  }
0x1e: {  	s7 =	smul.u32 @!p0 $0xF7A, s2;
	p2 =	seq.s32 @!p0 s5, $0x0  }
0x1f: {  	s9 =	smul.u32 $0xF7A, s1;
	s8 =	simm.s32 @!p0 $0x1BF5;
	p2 =	por !p2, p0  }
0x20: {  	[sflag:s8] =	ssyncset.s32 @!p0 $0xFFFFF086;
	s6 =	sadd.s32 @!p0 s3, s7;
	s7 =	simm.s32 @!p0 $0x108  }
0x21: {  	s3 =	sadd.s32 s3, s9;
	s6 =	sadd.s32 @!p0 $0x88, s6;
	s7 =	simm.s32 @p2 $0x1082  }
0x22: {  	[simem:s7], [sflag:s8] =	dma.local @!p0 [hbm:s6], $0xF7A  }
0x23: {  	s9 =	sor.u32 $0xD0000000, s2;
	s6 =	simm.s32 $0x108;
	_ =	swait.ge @!p0 [sflag:s8], $0x0  }
0x24: {  	s3 =	sadd.s32 $0x88, s3;
	s6 =	simm.s32 @!p1 $0x1082;
	[sflag:s4] =	ssyncset.s32 $0xFFFFF086  }
0x25: {  	[simem:s6], [sflag:s4] =	dma.local [hbm:s3], $0xF7A  }
0x26: {  	[smem:$0x3F9E] =	sst s1;
	(tag) =	ssettag s2;
	_ =	strace s9  }
0x27: {  	s1 =	sld [smem:$0x3FAE]  }
0x28: {  	s2 =	sld [smem:$0x3FAF]  }
0x29: {  	s4 =	sld [smem:$0x3FB1]  }
0x2a: {  	p0 =	seq.s32 s5, $0x0;
	s5 =	sld [smem:$0x3FB2]  }
0x2b: {  	s6 =	sld [smem:$0x3FB3]  }
0x2c: {  	s7 =	sld [smem:$0x3FB4]  }
0x2d: {  	s3 =	simm.s32 $0x108;
	s8 =	sld [smem:$0x3FB5]  }
0x2e: {  	s3 =	simm.s32 @!p0 $0x1082;
	s9 =	sld [smem:$0x3FB6]  }
0x2f: {  	lr =	sadd.s32 s0, s3;
	s0 =	sld [smem:$0x3FAD]  }
0x30: {  	s3 =	sld [smem:$0x3FB0]  }
0x31: {  	[smem:$0x3FB9] =	sst s10  }
0x32: {  	s10 =	sld [smem:$0x3FB7];
	_ =	sdelay $0x3  }
0x33: {  	p0 =	seq.s32 s10, $0x1;
	s10 =	sld [smem:$0x3FB9];
	_ =	sdelay $0x3  }
0x34: {  	[smem:$0x3FB9] =	sst s10  }
0x35: {  	s10 =	sld [smem:$0x3FB8];
	_ =	sdelay $0x3  }
0x36: {  	p1 =	seq.s32 s10, $0x1;
	s10 =	sld [smem:$0x3FB9];
	_ =	sdelay $0x3  }
0x37: {  	[smem:$0x3FB9] =	sst s10  }
0x38: {  	s10 =	sld [smem:$0x3FBA]  }
0x39: {  	_ = 	snop;
	(pc) =	sbr.ind lr, $3  }
0x3a: {  	_ = 	snop  }
0x3b: {  	_ = 	snop  }
0x3c: {  	p2 =	seq.s32 s10, $0x1;
	s10 =	sld [smem:$0x3FB9]  }
0x3d: {  	_ =	shalt  }
0x3e: {  	_ =	shalt  }
0x3f: {  	_ =	shalt  }
0x40: {  	_ =	shalt  }
0x41: {  	_ =	shalt  }
0x42: {  	_ =	shalt  }
0x43: {  	_ =	shalt  }
0x44: {  	_ =	shalt  }
0x45: {  	_ =	shalt  }
0x46: {  	_ =	shalt  }
0x47: {  	_ =	shalt  }
0x48: {  	_ =	shalt  }
0x49: {  	_ =	shalt  }
0x4a: {  	_ =	shalt  }
0x4b: {  	_ =	shalt  }
0x4c: {  	_ =	shalt  }
0x4d: {  	_ =	shalt  }
0x4e: {  	_ =	shalt  }
0x4f: {  	_ =	shalt  }
0x50: {  	_ =	shalt  }
0x51: {  	_ =	shalt  }
0x52: {  	_ =	shalt  }
0x53: {  	_ =	shalt  }
0x54: {  	_ =	shalt  }
0x55: {  	_ =	shalt  }
0x56: {  	_ =	shalt  }
0x57: {  	_ =	shalt  }
0x58: {  	_ =	shalt  }
0x59: {  	_ =	shalt  }
0x5a: {  	_ =	shalt  }
0x5b: {  	_ =	shalt  }
0x5c: {  	_ =	shalt  }
0x5d: {  	_ =	shalt  }
0x5e: {  	_ =	shalt  }
0x5f: {  	_ =	shalt  }
0x60: {  	_ =	shalt  }
0x61: {  	_ =	shalt  }
0x62: {  	_ =	shalt  }
0x63: {  	_ =	shalt  }
0x64: {  	_ =	shalt  }
0x65: {  	_ =	shalt  }
0x66: {  	_ =	shalt  }
0x67: {  	_ =	shalt  }
0x68: {  	_ =	shalt  }
0x69: {  	_ =	shalt  }
0x6a: {  	_ =	shalt  }
0x6b: {  	_ =	shalt  }
0x6c: {  	_ =	shalt  }
0x6d: {  	_ =	shalt  }
0x6e: {  	_ =	shalt  }
0x6f: {  	_ =	shalt  }
0x70: {  	_ =	shalt  }
0x71: {  	_ =	shalt  }
0x72: {  	_ =	shalt  }
0x73: {  	_ =	shalt  }
0x74: {  	_ =	shalt  }
0x75: {  	_ =	shalt  }
0x76: {  	_ =	shalt  }
0x77: {  	_ =	shalt  }
0x78: {  	_ =	shalt  }
0x79: {  	_ =	shalt  }
0x7a: {  	_ =	shalt  }
0x7b: {  	_ =	shalt  }
0x7c: {  	_ =	shalt  }
0x7d: {  	_ =	shalt  }
0x7e: {  	_ =	shalt  }
0x7f: {  	_ =	shalt  }
0x80: {  	_ =	shalt  }
0x81: {  	_ =	shalt  }
0x82: {  	_ =	shalt  }
0x83: {  	_ =	shalt  }
0x84: {  	_ =	shalt  }
0x85: {  	_ =	shalt  }
0x86: {  	_ =	shalt  }
0x87: {  	_ =	shalt  }
.Lfunc_end0:
.L_simem_size_0:
called_computation_lowered:
.L_overlay_start_0:
0x88: {  	s2 =	sld [smem:$0x3FD9]  }
0x89: {  	s3 =	sld [smem:$0x3FFE];
	_ =	sdelay $0x1  }
0x8a: {  	s1 =	srdreg.scid  }
0x8b: {  	s0 =	sand.u32 $0x1, s1  }
0x8c: {  	s15 =	sshll.u32 s0, $0xA;
	s2 =	sadd.s32 s3, s2  }
0x8d: {  	s2 =	sadd.s32 s2, s15  }
0x8e: {  	[smem:$0x3FC5] =	sst s2  }
0x8f: {  	_ = 	snop  }
0x90: {  	s2 =	sld [smem:$0x3FD0]  }
0x91: {  	s16 =	sld [smem:$0x3FC9]  }
0x92: {  	s4 =	sld [smem:$0x3FC8]  }
0x93: {  	s6 =	simm.s32 $0xA;
	s7 =	simm.s32 $0x10;
	s5 =	sld [smem:$0x3FC7]  }
0x94: {  	[smem:s7], [sflag:s6] =	dma.local [hbm:s2], $0x1  }
0x95: {  	_ =	swait.eq [sflag:s6], $0x1  }
0x96: {  	[sflag:s6] =	ssyncset.done $0x0  }
0x97: {  	s17 =	sld [smem:$0x10];
	[sflag:s6] =	ssyncadd.s32 $0xFFFFFFFF  }
0x98: {  	s18 =	sld [smem:$0x11];
	(tm) =	ssettm $0x1  }
0x99: {  	s19 =	sld [smem:$0x3FFB];
	_ =	sdelay $0x3  }
0x9a: {  	_ =	strace s19  }
0x9b: {  	s7 =	sld [smem:$0x3FFC];
	_ =	sdelay $0x3  }
0x9c: {  	_ =	strace s7  }
0x9d: {  	s7 =	sld [smem:$0x3FFD];
	_ =	sdelay $0x3  }
0x9e: {  	_ =	strace s7  }
0x9f: {  	_ =	strace $0x8FFFFFFF  }
0xa0: {  	s20 =	sld [smem:$0x3FDB];
	_ =	sdelay $0x1  }
0xa1: {  	s8 =	simm.s32 $_scs_section_size  }
0xa2: {  	s9 =	simm.s32 $_size__tile_overlayer_lowered;
	s10 =	simm.s32 $_tile_overlayer_lowered  }
0xa3: {  	s23 =	simm.s32 $0x1BFF;
	s22 =	sshll.u32 s10, $0x1;
	s7 =	sadd.s32 s8, s20  }
0xa4: {  	s11 =	simm.s32 $0x0;
	s21 =	sshll.u32 s9, $0x1;
	s9 =	sadd.s32 s22, s7  }
0xa5: {  	[timem:s11], [sflag:s23] =	dma.local [hbm:s9], s21  }
0xa6: {  	_ =	swait.ge [sflag:s23], s21  }
0xa7: {  	s8 =	ssub.s32 $0x0, s21;
	[sflag:s23] =	ssyncset.done $0x0  }
0xa8: {  	[sflag:s23] =	ssyncadd.s32 s8;
	_ =	sdelay $0x1  }
0xa9: {  	s24 =	simm.s32 $0x1B8B  }
0xaa: {  	_ =	swait.ge [sflag:s24], $0x1  }
0xab: {  	[sflag:s24] =	ssyncset.done $0x0  }
0xac: {  	s25 =	simm.s32 $0x1B8E;
	[sflag:s24] =	ssyncadd.s32 $0xFFFFFFFF  }
0xad: {  	s26 =	simm.s32 $execute0_lowered;
	[smem:$0x3FD2] =	sst s25  }
0xae: {  	s8 =	sshll.u32 s26, $0x1;
	_ =	strace $0x80000046;
	[dreg:$0x1] =	wrdreg $0xFFFFFFFF  }
0xaf: {  	s28 =	simm.s32 $_size_execute0_lowered;
	s7 =	sadd.s32 s7, s8;
	[dreg:$0x0] =	wrdreg $0x0  }
0xb0: {  	s8 =	sshll.u32 s28, $0x1;
	[dreg:$0x2] =	wrdreg s7  }
0xb1: {  	[dreg:$0x3] =	wrdreg s8  }
0xb2: {  	[dreg:$0x4] =	wrdreg $0xC0  }
0xb3: {  	_ =	task [dreg:s11], $0x5FFFF  }
0xb4: {  	[dreg:$0x1] =	wrdreg $0xFFFFFFFF  }
0xb5: {  	[dreg:$0x0] =	wrdreg $0x60  }
0xb6: {  	[dreg:$0x2] =	wrdreg s16  }
0xb7: {  	[dreg:$0x3] =	wrdreg s4  }
0xb8: {  	[dreg:$0x4] =	wrdreg s5  }
0xb9: {  	[dreg:$0x5] =	wrdreg s17  }
0xba: {  	[dreg:$0x6] =	wrdreg s18  }
0xbb: {  	[dreg:$0x7] =	wrdreg $0x9  }
0xbc: {  	_ =	task.clear_ibuf [dreg:s11], $0x8FFFF;
	_ =	strace $0x90000046  }
0xbd: {  	s29 =	simm.s32 $0x9;
	_ =	strace $0x80000048  }
0xbe: {  	_ =	swait.ge [sflag:s29], $0x1  }
0xbf: {  	[sflag:s29] =	ssyncadd.s32 $0xFFFFFFFF  }
0xc0: {  	_ =	strace $0x90000048  }
0xc1: {  	_ =	sfence  }
0xc2: {  	s30 =	sld [smem:$0x0];
	_ =	sdelay $0x2  }
0xc3: {  	s31 =	sshll.u32 s1, $0xD;
	s1 =	sshrl.u32 s1, $0x2  }
0xc4: {  	s3 =	sand.u32 $0x4000, s31;
	s1 =	sadd.s32 s1, s30  }
0xc5: {  	s0 =	sor.u32 s3, s0;
	s1 =	sshll.u32 s1, $0x11  }
0xc6: {  	s0 =	sor.u32 s1, s0  }
0xc7: {  	s0 =	sadd.s32 $0x8F2B, s0  }
0xc8: {  	[sflag:s0] =	ssyncadd.remote.s32 $0x1  }
0xc9: {  	_ =	sfence.sel $0xFFFF  }
0xca: {  	[dreg:$0x0] =	wrdreg $0xFFFFFFFF;
	(pc) =	sbr.abs _section_cstart, $3  }
0xcb: {  	[dreg:$0x1] =	wrdreg $0xFFFFFFFF  }
0xcc: {  	_ =	task.clear_ibuf [dreg:s11], $0x2FFFF;
	_ =	strace $0x9FFFFFFF  }
0xcd: {  	(tm) =	ssettm $0x7FFFFFFF  }
tec
execute0_lowered:
.L_overlay_start_1:
0x0: {  	(tag) =	ssettag $0x1  }
0x1: {  	s5 =	rddreg [dreg:$0x0]  }
0x2: {  	s1 =	rddreg [dreg:$0x1]  }
0x3: {  	s2 =	rddreg [dreg:$0x2]  }
0x4: {  	s6 =	rddreg [dreg:$0x3]  }
0x5: {  	s7 =	rddreg [dreg:$0x4];
	s4 =	simm.s32 $0x0  }
0x6: {  	s19 =	simm.s32 $0xC00;
	[smem:$0x7FF] =	sst s4  }
0x7: {  	s20 =	simm.s32 $0x1400;
	_ =	strace $0x80000047;
	[dreg:$0xe] =	wrdreg s19  }
0x8: {  	s21 =	simm.s32 $0x1C00;
	[dreg:$0xf] =	wrdreg s20  }
0x9: {  	s22 =	simm.s32 $0x2C00;
	[dreg:$0x10] =	wrdreg s21  }
0xa: {  	s23 =	simm.s32 $0x3400;
	[dreg:$0x11] =	wrdreg s22  }
0xb: {  	s24 =	simm.s32 $0x3C00;
	[dreg:$0x12] =	wrdreg s23  }
0xc: {  	s25 =	simm.s32 $0x4C00;
	[dreg:$0x13] =	wrdreg s24  }
0xd: {  	s0 =	stileid.u32;
	s26 =	simm.s32 $0x5400;
	[dreg:$0x14] =	wrdreg s25  }
0xe: {  	s8 =	sshll.u32 s0, $0xA;
	s0 =	simm.s32 $0x5C00;
	[dreg:$0x15] =	wrdreg s26  }
0xf: {  	s11 =	simm.s32 $0x8C00;
	[dreg:$0x16] =	wrdreg s0  }
0x10: {  	s12 =	simm.s32 $0x9400;
	[dreg:$0x1b] =	wrdreg s11  }
0x11: {  	[dreg:$0x1c] =	wrdreg s12;
	s19 =	simm.s32 $0xCC00  }
0x12: {  	s20 =	simm.s32 $0xD400;
	[smem:$0x7E2] =	sst s19  }
0x13: {  	s21 =	simm.s32 $0xDC00;
	[smem:$0x7E3] =	sst s20  }
0x14: {  	s22 =	simm.s32 $0xE400;
	[smem:$0x7E4] =	sst s21  }
0x15: {  	s23 =	simm.s32 $0xEC00;
	[smem:$0x7E5] =	sst s22  }
0x16: {  	s24 =	simm.s32 $0xF400;
	[smem:$0x7E6] =	sst s23  }
0x17: {  	s25 =	simm.s32 $0xFC00;
	[smem:$0x7E7] =	sst s24  }
0x18: {  	s26 =	simm.s32 $0x10C00;
	[smem:$0x7E8] =	sst s25  }
0x19: {  	s0 =	simm.s32 $0x11400;
	[smem:$0x7E9] =	sst s26  }
0x1a: {  	s11 =	simm.s32 $0x13C00;
	[smem:$0x7EA] =	sst s0  }
0x1b: {  	s12 =	simm.s32 $0x14400;
	[smem:$0x7EF] =	sst s11  }
0x1c: {  	[smem:$0x7F0] =	sst s12;
	s19 =	simm.s32 $0x17400  }
0x1d: {  	s20 =	simm.s32 $0x17C00;
	[smem:$0x7F6] =	sst s19  }
0x1e: {  	s21 =	simm.s32 $0x18C00;
	[smem:$0x7F7] =	sst s20  }
0x1f: {  	s3 =	srdreg.scid;
	s22 =	simm.s32 $0x19400;
	[smem:$0x7F8] =	sst s21  }
0x20: {  	s3 =	sand.u32 $0x1, s3;
	s23 =	simm.s32 $0x19C00;
	[smem:$0x7F9] =	sst s22  }
0x21: {  	s9 =	sshll.u32 s3, $0x9;
	s24 =	simm.s32 $0x1A400;
	[smem:$0x7FA] =	sst s23  }
0x22: {  	s8 =	sor.u32 s9, s8;
	s25 =	simm.s32 $0x1AC00;
	[smem:$0x7FB] =	sst s24  }
0x23: {  	s26 =	simm.s32 $0x1B400;
	s9 =	sshrl.u32 s8, $0x3;
	[smem:$0x7FC] =	sst s25  }
0x24: {  	[smem:$0x7FD] =	sst s26;
	s10 =	sadd.s32 s5, s9  }
0x25: {  	s18 =	sadd.s32 s7, s9;
	[dreg:$0x6] =	wrdreg s10  }
0x26: {  	s8 =	sshll.u32 s8, $0x5;
	s7 =	simm.s32 $0x6400;
	[dreg:$0xd] =	wrdreg s18  }
0x27: {  	s5 =	sadd.s32 s6, s8;
	s8 =	simm.s32 $0x6C00;
	[dreg:$0x17] =	wrdreg s7  }
0x28: {  	s9 =	simm.s32 $0x7400;
	[dreg:$0x18] =	wrdreg s8  }
0x29: {  	s6 =	sadd.s32 $0x400, s5;
	[dreg:$0x19] =	wrdreg s9  }
0x2a: {  	s13 =	sadd.s32 $0x800, s5;
	[dreg:$0x7] =	wrdreg s6  }
0x2b: {  	s28 =	simm.s32 $0x180;
	s14 =	sadd.s32 $0x1000, s5;
	[dreg:$0x8] =	wrdreg s13  }
0x2c: {  	s29 =	simm.s32 $0x380;
	s15 =	sadd.s32 $0x2000, s5;
	[dreg:$0x9] =	wrdreg s14  }
0x2d: {  	s30 =	simm.s32 $0x1;
	s16 =	sadd.s32 $0x3000, s5;
	[dreg:$0xa] =	wrdreg s15  }
0x2e: {  	s31 =	simm.s32 $0x3;
	s17 =	sadd.s32 $0x3F00, s5;
	[dreg:$0xb] =	wrdreg s16  }
0x2f: {  	s3 =	ssub.s32 $0x2, s3;
	s10 =	simm.s32 $0x7C00;
	[dreg:$0xc] =	wrdreg s17  }
0x30: {  	s11 =	simm.s32 $0x8400;
	s18 =	simm.s32 $0xC400;
	[dreg:$0x1a] =	wrdreg s10  }
0x31: {  	s12 =	simm.s32 $0x10400;
	s7 =	simm.s32 $0x11C00;
	[smem:$0x7E1] =	sst s18  }
0x32: {  	s19 =	simm.s32 $0x1E400;
	s8 =	simm.s32 $0x12400;
	[smem:$0x7EB] =	sst s7  }
0x33: {  	s20 =	simm.s32 $0x1EC00;
	s9 =	simm.s32 $0x12C00;
	[smem:$0x7EC] =	sst s8  }
0x34: {  	s21 =	simm.s32 $0x1F400;
	s13 =	simm.s32 $0x9C00;
	[smem:$0x7ED] =	sst s9  }
0x35: {  	s22 =	simm.s32 $0x80;
	s14 =	simm.s32 $0xA400;
	[dreg:$0x1d] =	wrdreg s13  }
0x36: {  	s23 =	simm.s32 $0x200;
	s15 =	simm.s32 $0xAC00;
	[dreg:$0x1e] =	wrdreg s14  }
0x37: {  	s24 =	simm.s32 $0x280;
	s16 =	simm.s32 $0xB400;
	[dreg:$0x1f] =	wrdreg s15  }
0x38: {  	s25 =	simm.s32 $0x100;
	s17 =	simm.s32 $0xBC00;
	[smem:$0x7DF] =	sst s16  }
0x39: {  	s26 =	simm.s32 $0x300;
	s10 =	simm.s32 $0x13400;
	[smem:$0x7E0] =	sst s17  }
0x3a: {  	s18 =	sshrl.u32 s3, $0x1;
	[smem:$0x7EE] =	sst s10;
	s13 =	simm.s32 $0x14C00  }
0x3b: {  	s7 =	simm.s32 $0x4;
	s14 =	simm.s32 $0x15400;
	[smem:$0x7F1] =	sst s13  }
0x3c: {  	s8 =	simm.s32 $0x400;
	s15 =	simm.s32 $0x15C00;
	[smem:$0x7F2] =	sst s14  }
0x3d: {  	s9 =	simm.s32 $0x2400;
	s16 =	simm.s32 $0x16400;
	[smem:$0x7F3] =	sst s15  }
0x3e: {  	s17 =	simm.s32 $0x16C00;
	s3 =	ssub.s32 s3, s18;
	[smem:$0x7F4] =	sst s16  }
0x3f: {  	v2 =	vlaneseq.u32;
	s10 =	simm.s32 $0x4400;
	s18 =	simm.s32 $0x1DC00;
	[smem:$0x7F5] =	sst s17  }
0x40: {  	vm0 =	vmmov $0xffff;
	v1 =	vshrl.u32 v2, $0x3;
	s6 =	smax.u32 s3, $0x1;
	s13 =	simm.s32 $0x18400;
	s15 =	simm.s32 $0x1C400  }
0x41: {  	v0 =	vand.u32 $0x7, v2;
	v2 =	vor.u32 $0x8, v2;
	v1 =	vmul.u32 $0x8, v1;
	s16 =	simm.s32 $0x1CC00;
	s17 =	simm.s32 $0x1D400;
	s3 =	simm.s32 $0x2  }
.LBB2_1:
0x42: {  	s0 =	rddreg [dreg:$0x6]  }
0x43: {  	[tilespmem:s4], [sflag:$0x4] =	stream.linear.gather [hbm4b:s0+s4], $0x200, $0x38;
	[tilespmem:$0x1FC00] =	vst v63  }
0x44: {  	_ =	swait.ge [sflag:s7], $0x200  }
0x45: {  	[sflag:s7] =	ssyncset.done $0x0  }
0x46: {  	[sflag:s7] =	ssyncadd.s32 $0xFFFFFE00  }
0x47: {  	v3 =	vld [tilespmem:$0x0];
	_ =	sdelay $0x4  }
0x48: {  	v4 =	vshll.u32 v3, $0x1  }
0x49: {  	v3 =	vand.u32 $0x7, v3;
	v4 =	vand.u32 $0xFFFFFFF0, v4  }
0x4a: {  	v3 =	vor.u32 v3, v4  }
0x4b: {  	v4 =	vperm.xlane v3, v0;
	_ =	sdelay $0x1  }
0x4c: {  	v3 =	vperm.xlane v3, v2;
	v4 =	vadd.s32 v1, v4;
	_ =	sdelay $0x1  }
0x4d: {  	v3 =	vadd.s32 v1, v3;
	_ =	sdelay $0x2  }
0x4e: {  	[tilespmem:s8], [sflag:$0x1] =	stream.indirect_vreg.gather [hbm4b:s1+s4], $0x80, v4, vm0, $0xb8;
	[tilespmem:$0x1FC00] =	vst v63  }
0x4f: {  	s14 =	rddreg [dreg:$0xe]  }
0x50: {  	[tilespmem:s14], [sflag:$0x1] =	stream.indirect_vreg.gather [hbm4b:s1+s4], $0x80, v3, vm0, $0xb8;
	[tilespmem:$0x1FC00] =	vst v63  }
0x51: {  	v3 =	vld [tilespmem:$0x10];
	_ =	sdelay $0x4  }
0x52: {  	v32 =	vshll.u32 v3, $0x1  }
0x53: {  	v3 =	vand.u32 $0x7, v3;
	v4 =	vand.u32 $0xFFFFFFF0, v32  }
0x54: {  	v3 =	vor.u32 v3, v4  }
0x55: {  	v4 =	vperm.xlane v3, v0;
	_ =	sdelay $0x1  }
0x56: {  	v3 =	vperm.xlane v3, v2;
	v4 =	vadd.s32 v1, v4;
	_ =	sdelay $0x1  }
0x57: {  	v3 =	vadd.s32 v1, v3;
	_ =	sdelay $0x1  }
0x58: {  	s0 =	rddreg [dreg:$0xf]  }
0x59: {  	[tilespmem:s0], [sflag:$0x1] =	stream.indirect_vreg.gather [hbm4b:s1+s4], $0x80, v4, vm0, $0xb8;
	[tilespmem:$0x1FC00] =	vst v63  }
0x5a: {  	s14 =	rddreg [dreg:$0x10]  }
0x5b: {  	[tilespmem:s14], [sflag:$0x1] =	stream.indirect_vreg.gather [hbm4b:s1+s4], $0x80, v3, vm0, $0xb8;
	[tilespmem:$0x1FC00] =	vst v63  }
0x5c: {  	v3 =	vld [tilespmem:$0x20];
	_ =	sdelay $0x4  }
0x5d: {  	v33 =	vshll.u32 v3, $0x1  }
0x5e: {  	v3 =	vand.u32 $0x7, v3;
	v4 =	vand.u32 $0xFFFFFFF0, v33  }
0x5f: {  	v3 =	vor.u32 v3, v4  }
0x60: {  	v4 =	vperm.xlane v3, v0;
	_ =	sdelay $0x1  }
0x61: {  	v3 =	vperm.xlane v3, v2;
	v4 =	vadd.s32 v1, v4;
	_ =	sdelay $0x1  }
0x62: {  	v3 =	vadd.s32 v1, v3;
	_ =	sdelay $0x2  }
0x63: {  	[tilespmem:s9], [sflag:$0x1] =	stream.indirect_vreg.gather [hbm4b:s1+s4], $0x80, v4, vm0, $0xb8;
	[tilespmem:$0x1FC00] =	vst v63  }
0x64: {  	s14 =	rddreg [dreg:$0x11]  }
0x65: {  	[tilespmem:s14], [sflag:$0x1] =	stream.indirect_vreg.gather [hbm4b:s1+s4], $0x80, v3, vm0, $0xb8;
	[tilespmem:$0x1FC00] =	vst v63  }
0x66: {  	v3 =	vld [tilespmem:$0x30];
	_ =	sdelay $0x4  }
0x67: {  	v34 =	vshll.u32 v3, $0x1  }
0x68: {  	v3 =	vand.u32 $0x7, v3;
	v4 =	vand.u32 $0xFFFFFFF0, v34  }
0x69: {  	v3 =	vor.u32 v3, v4  }
0x6a: {  	v4 =	vperm.xlane v3, v0;
	_ =	sdelay $0x1  }
0x6b: {  	v3 =	vperm.xlane v3, v2;
	v4 =	vadd.s32 v1, v4;
	_ =	sdelay $0x1  }
0x6c: {  	v3 =	vadd.s32 v1, v3;
	_ =	sdelay $0x1  }
0x6d: {  	s0 =	rddreg [dreg:$0x12]  }
0x6e: {  	[tilespmem:s0], [sflag:$0x1] =	stream.indirect_vreg.gather [hbm4b:s1+s4], $0x80, v4, vm0, $0xb8;
	[tilespmem:$0x1FC00] =	vst v63  }
0x6f: {  	s14 =	rddreg [dreg:$0x13]  }
0x70: {  	[tilespmem:s14], [sflag:$0x1] =	stream.indirect_vreg.gather [hbm4b:s1+s4], $0x80, v3, vm0, $0xb8;
	[tilespmem:$0x1FC00] =	vst v63  }
0x71: {  	v3 =	vld [tilespmem:$0x40];
	_ =	sdelay $0x4  }
0x72: {  	v35 =	vshll.u32 v3, $0x1  }
0x73: {  	v3 =	vand.u32 $0x7, v3;
	v4 =	vand.u32 $0xFFFFFFF0, v35  }
0x74: {  	v3 =	vor.u32 v3, v4  }
0x75: {  	v4 =	vperm.xlane v3, v0;
	_ =	sdelay $0x1  }
0x76: {  	v3 =	vperm.xlane v3, v2;
	v4 =	vadd.s32 v1, v4;
	_ =	sdelay $0x1  }
0x77: {  	v3 =	vadd.s32 v1, v3;
	_ =	sdelay $0x2  }
0x78: {  	[tilespmem:s10], [sflag:$0x1] =	stream.indirect_vreg.gather [hbm4b:s1+s4], $0x80, v4, vm0, $0xb8;
	[tilespmem:$0x1FC00] =	vst v63  }
0x79: {  	s14 =	rddreg [dreg:$0x14]  }
0x7a: {  	[tilespmem:s14], [sflag:$0x1] =	stream.indirect_vreg.gather [hbm4b:s1+s4], $0x80, v3, vm0, $0xb8;
	[tilespmem:$0x1FC00] =	vst v63  }
0x7b: {  	v3 =	vld [tilespmem:$0x50];
	_ =	sdelay $0x4  }
0x7c: {  	v36 =	vshll.u32 v3, $0x1  }
0x7d: {  	v3 =	vand.u32 $0x7, v3;
	v4 =	vand.u32 $0xFFFFFFF0, v36  }
0x7e: {  	v3 =	vor.u32 v3, v4  }
0x7f: {  	v4 =	vperm.xlane v3, v0;
	_ =	sdelay $0x1  }
0x80: {  	v3 =	vperm.xlane v3, v2;
	v4 =	vadd.s32 v1, v4;
	_ =	sdelay $0x1  }
0x81: {  	v3 =	vadd.s32 v1, v3;
	_ =	sdelay $0x1  }
0x82: {  	s0 =	rddreg [dreg:$0x15]  }
0x83: {  	[tilespmem:s0], [sflag:$0x1] =	stream.indirect_vreg.gather [hbm4b:s1+s4], $0x80, v4, vm0, $0xb8;
	[tilespmem:$0x1FC00] =	vst v63  }
0x84: {  	s14 =	rddreg [dreg:$0x16]  }
0x85: {  	[tilespmem:s14], [sflag:$0x1] =	stream.indirect_vreg.gather [hbm4b:s1+s4], $0x80, v3, vm0, $0xb8;
	[tilespmem:$0x1FC00] =	vst v63  }
0x86: {  	v3 =	vld [tilespmem:$0x60];
	_ =	sdelay $0x4  }
0x87: {  	v37 =	vshll.u32 v3, $0x1  }
0x88: {  	v3 =	vand.u32 $0x7, v3;
	v4 =	vand.u32 $0xFFFFFFF0, v37  }
0x89: {  	v3 =	vor.u32 v3, v4  }
0x8a: {  	v4 =	vperm.xlane v3, v0;
	_ =	sdelay $0x1  }
0x8b: {  	v3 =	vperm.xlane v3, v2;
	v4 =	vadd.s32 v1, v4;
	_ =	sdelay $0x1  }
0x8c: {  	v3 =	vadd.s32 v1, v3;
	_ =	sdelay $0x1  }
0x8d: {  	s0 =	rddreg [dreg:$0x17]  }
0x8e: {  	[tilespmem:s0], [sflag:$0x1] =	stream.indirect_vreg.gather [hbm4b:s1+s4], $0x80, v4, vm0, $0xb8;
	[tilespmem:$0x1FC00] =	vst v63  }
0x8f: {  	s14 =	rddreg [dreg:$0x18]  }
0x90: {  	[tilespmem:s14], [sflag:$0x1] =	stream.indirect_vreg.gather [hbm4b:s1+s4], $0x80, v3, vm0, $0xb8;
	[tilespmem:$0x1FC00] =	vst v63  }
0x91: {  	v3 =	vld [tilespmem:$0x70];
	_ =	sdelay $0x4  }
0x92: {  	v38 =	vshll.u32 v3, $0x1  }
0x93: {  	v3 =	vand.u32 $0x7, v3;
	v4 =	vand.u32 $0xFFFFFFF0, v38  }
0x94: {  	v3 =	vor.u32 v3, v4  }
0x95: {  	v4 =	vperm.xlane v3, v0;
	_ =	sdelay $0x1  }
0x96: {  	v3 =	vperm.xlane v3, v2;
	v4 =	vadd.s32 v1, v4;
	_ =	sdelay $0x1  }
0x97: {  	v3 =	vadd.s32 v1, v3;
	_ =	sdelay $0x1  }
0x98: {  	s0 =	rddreg [dreg:$0x19]  }
0x99: {  	[tilespmem:s0], [sflag:$0x1] =	stream.indirect_vreg.gather [hbm4b:s1+s4], $0x80, v4, vm0, $0xb8;
	[tilespmem:$0x1FC00] =	vst v63  }
0x9a: {  	s14 =	rddreg [dreg:$0x1a]  }
0x9b: {  	[tilespmem:s14], [sflag:$0x1] =	stream.indirect_vreg.gather [hbm4b:s1+s4], $0x80, v3, vm0, $0xb8;
	[tilespmem:$0x1FC00] =	vst v63  }
0x9c: {  	v3 =	vld [tilespmem:$0x80];
	_ =	sdelay $0x4  }
0x9d: {  	v39 =	vshll.u32 v3, $0x1  }
0x9e: {  	v3 =	vand.u32 $0x7, v3;
	v4 =	vand.u32 $0xFFFFFFF0, v39  }
0x9f: {  	v3 =	vor.u32 v3, v4  }
0xa0: {  	v4 =	vperm.xlane v3, v0;
	_ =	sdelay $0x1  }
0xa1: {  	v3 =	vperm.xlane v3, v2;
	v4 =	vadd.s32 v1, v4;
	_ =	sdelay $0x1  }
0xa2: {  	v3 =	vadd.s32 v1, v3;
	_ =	sdelay $0x2  }
0xa3: {  	[tilespmem:s11], [sflag:$0x1] =	stream.indirect_vreg.gather [hbm4b:s1+s4], $0x80, v4, vm0, $0xb8;
	[tilespmem:$0x1FC00] =	vst v63  }
0xa4: {  	s14 =	rddreg [dreg:$0x1b]  }
0xa5: {  	[tilespmem:s14], [sflag:$0x1] =	stream.indirect_vreg.gather [hbm4b:s1+s4], $0x80, v3, vm0, $0xb8;
	[tilespmem:$0x1FC00] =	vst v63  }
0xa6: {  	v3 =	vld [tilespmem:$0x90];
	_ =	sdelay $0x4  }
0xa7: {  	v40 =	vshll.u32 v3, $0x1  }
0xa8: {  	v3 =	vand.u32 $0x7, v3;
	v4 =	vand.u32 $0xFFFFFFF0, v40  }
0xa9: {  	v3 =	vor.u32 v3, v4  }
0xaa: {  	v4 =	vperm.xlane v3, v0;
	_ =	sdelay $0x1  }
0xab: {  	v3 =	vperm.xlane v3, v2;
	v4 =	vadd.s32 v1, v4;
	_ =	sdelay $0x1  }
0xac: {  	v3 =	vadd.s32 v1, v3;
	_ =	sdelay $0x1  }
0xad: {  	s0 =	rddreg [dreg:$0x1c]  }
0xae: {  	[tilespmem:s0], [sflag:$0x1] =	stream.indirect_vreg.gather [hbm4b:s1+s4], $0x80, v4, vm0, $0xb8;
	[tilespmem:$0x1FC00] =	vst v63  }
0xaf: {  	s14 =	rddreg [dreg:$0x1d]  }
0xb0: {  	[tilespmem:s14], [sflag:$0x1] =	stream.indirect_vreg.gather [hbm4b:s1+s4], $0x80, v3, vm0, $0xb8;
	[tilespmem:$0x1FC00] =	vst v63  }
0xb1: {  	v3 =	vld [tilespmem:$0xA0];
	_ =	sdelay $0x4  }
0xb2: {  	v41 =	vshll.u32 v3, $0x1  }
0xb3: {  	v3 =	vand.u32 $0x7, v3;
	v4 =	vand.u32 $0xFFFFFFF0, v41  }
0xb4: {  	v3 =	vor.u32 v3, v4  }
0xb5: {  	v4 =	vperm.xlane v3, v0;
	_ =	sdelay $0x1  }
0xb6: {  	v3 =	vperm.xlane v3, v2;
	v4 =	vadd.s32 v1, v4;
	_ =	sdelay $0x1  }
0xb7: {  	v3 =	vadd.s32 v1, v3;
	_ =	sdelay $0x1  }
0xb8: {  	s0 =	rddreg [dreg:$0x1e]  }
0xb9: {  	[tilespmem:s0], [sflag:$0x1] =	stream.indirect_vreg.gather [hbm4b:s1+s4], $0x80, v4, vm0, $0xb8;
	[tilespmem:$0x1FC00] =	vst v63  }
0xba: {  	s14 =	rddreg [dreg:$0x1f]  }
0xbb: {  	[tilespmem:s14], [sflag:$0x1] =	stream.indirect_vreg.gather [hbm4b:s1+s4], $0x80, v3, vm0, $0xb8;
	[tilespmem:$0x1FC00] =	vst v63  }
0xbc: {  	v3 =	vld [tilespmem:$0xB0];
	_ =	sdelay $0x4  }
0xbd: {  	v42 =	vshll.u32 v3, $0x1  }
0xbe: {  	v3 =	vand.u32 $0x7, v3;
	v4 =	vand.u32 $0xFFFFFFF0, v42  }
0xbf: {  	v3 =	vor.u32 v3, v4  }
0xc0: {  	v4 =	vperm.xlane v3, v0;
	_ =	sdelay $0x1  }
0xc1: {  	v3 =	vperm.xlane v3, v2;
	v4 =	vadd.s32 v1, v4;
	_ =	sdelay $0x1  }
0xc2: {  	s0 =	sld [smem:$0x7DF];
	v3 =	vadd.s32 v1, v3;
	_ =	sdelay $0x1  }
0xc3: {  	s14 =	sld [smem:$0x7E0]  }
0xc4: {  	[tilespmem:s0], [sflag:$0x1] =	stream.indirect_vreg.gather [hbm4b:s1+s4], $0x80, v4, vm0, $0xb8;
	[tilespmem:$0x1FC00] =	vst v63  }
0xc5: {  	_ = 	snop  }
0xc6: {  	[tilespmem:s14], [sflag:$0x1] =	stream.indirect_vreg.gather [hbm4b:s1+s4], $0x80, v3, vm0, $0xb8;
	[tilespmem:$0x1FC00] =	vst v63  }
0xc7: {  	v3 =	vld [tilespmem:$0xC0];
	_ =	sdelay $0x4  }
0xc8: {  	v43 =	vshll.u32 v3, $0x1  }
0xc9: {  	v3 =	vand.u32 $0x7, v3;
	v4 =	vand.u32 $0xFFFFFFF0, v43  }
0xca: {  	v3 =	vor.u32 v3, v4  }
0xcb: {  	v4 =	vperm.xlane v3, v0;
	_ =	sdelay $0x1  }
0xcc: {  	v3 =	vperm.xlane v3, v2;
	v4 =	vadd.s32 v1, v4;
	_ =	sdelay $0x1  }
0xcd: {  	s0 =	sld [smem:$0x7E1];
	v3 =	vadd.s32 v1, v3;
	_ =	sdelay $0x1  }
0xce: {  	s14 =	sld [smem:$0x7E2]  }
0xcf: {  	[tilespmem:s0], [sflag:$0x1] =	stream.indirect_vreg.gather [hbm4b:s1+s4], $0x80, v4, vm0, $0xb8;
	[tilespmem:$0x1FC00] =	vst v63  }
0xd0: {  	_ = 	snop  }
0xd1: {  	[tilespmem:s14], [sflag:$0x1] =	stream.indirect_vreg.gather [hbm4b:s1+s4], $0x80, v3, vm0, $0xb8;
	[tilespmem:$0x1FC00] =	vst v63  }
0xd2: {  	v3 =	vld [tilespmem:$0xD0];
	_ =	sdelay $0x4  }
0xd3: {  	v44 =	vshll.u32 v3, $0x1  }
0xd4: {  	v3 =	vand.u32 $0x7, v3;
	v4 =	vand.u32 $0xFFFFFFF0, v44  }
0xd5: {  	v3 =	vor.u32 v3, v4  }
0xd6: {  	v4 =	vperm.xlane v3, v0;
	_ =	sdelay $0x1  }
0xd7: {  	v3 =	vperm.xlane v3, v2;
	v4 =	vadd.s32 v1, v4;
	_ =	sdelay $0x1  }
0xd8: {  	s0 =	sld [smem:$0x7E3];
	v3 =	vadd.s32 v1, v3;
	_ =	sdelay $0x1  }
0xd9: {  	s14 =	sld [smem:$0x7E4]  }
0xda: {  	[tilespmem:s0], [sflag:$0x1] =	stream.indirect_vreg.gather [hbm4b:s1+s4], $0x80, v4, vm0, $0xb8;
	[tilespmem:$0x1FC00] =	vst v63  }
0xdb: {  	_ = 	snop  }
0xdc: {  	[tilespmem:s14], [sflag:$0x1] =	stream.indirect_vreg.gather [hbm4b:s1+s4], $0x80, v3, vm0, $0xb8;
	[tilespmem:$0x1FC00] =	vst v63  }
0xdd: {  	v3 =	vld [tilespmem:$0xE0];
	_ =	sdelay $0x4  }
0xde: {  	v45 =	vshll.u32 v3, $0x1  }
0xdf: {  	v3 =	vand.u32 $0x7, v3;
	v4 =	vand.u32 $0xFFFFFFF0, v45  }
0xe0: {  	v3 =	vor.u32 v3, v4  }
0xe1: {  	v4 =	vperm.xlane v3, v0;
	_ =	sdelay $0x1  }
0xe2: {  	v3 =	vperm.xlane v3, v2;
	v4 =	vadd.s32 v1, v4;
	_ =	sdelay $0x1  }
0xe3: {  	s0 =	sld [smem:$0x7E5];
	v3 =	vadd.s32 v1, v3;
	_ =	sdelay $0x1  }
0xe4: {  	s14 =	sld [smem:$0x7E6]  }
0xe5: {  	[tilespmem:s0], [sflag:$0x1] =	stream.indirect_vreg.gather [hbm4b:s1+s4], $0x80, v4, vm0, $0xb8;
	[tilespmem:$0x1FC00] =	vst v63  }
0xe6: {  	_ = 	snop  }
0xe7: {  	[tilespmem:s14], [sflag:$0x1] =	stream.indirect_vreg.gather [hbm4b:s1+s4], $0x80, v3, vm0, $0xb8;
	[tilespmem:$0x1FC00] =	vst v63  }
0xe8: {  	v3 =	vld [tilespmem:$0xF0];
	_ =	sdelay $0x4  }
0xe9: {  	v46 =	vshll.u32 v3, $0x1  }
0xea: {  	v3 =	vand.u32 $0x7, v3;
	v4 =	vand.u32 $0xFFFFFFF0, v46  }
0xeb: {  	v3 =	vor.u32 v3, v4  }
0xec: {  	v4 =	vperm.xlane v3, v0;
	_ =	sdelay $0x1  }
0xed: {  	v3 =	vperm.xlane v3, v2;
	v4 =	vadd.s32 v1, v4;
	_ =	sdelay $0x1  }
0xee: {  	s0 =	sld [smem:$0x7E7];
	v3 =	vadd.s32 v1, v3;
	_ =	sdelay $0x1  }
0xef: {  	s14 =	sld [smem:$0x7E8]  }
0xf0: {  	[tilespmem:s0], [sflag:$0x1] =	stream.indirect_vreg.gather [hbm4b:s1+s4], $0x80, v4, vm0, $0xb8;
	[tilespmem:$0x1FC00] =	vst v63  }
0xf1: {  	_ = 	snop  }
0xf2: {  	[tilespmem:s14], [sflag:$0x1] =	stream.indirect_vreg.gather [hbm4b:s1+s4], $0x80, v3, vm0, $0xb8;
	[tilespmem:$0x1FC00] =	vst v63  }
0xf3: {  	v3 =	vld [tilespmem:$0x100];
	_ =	sdelay $0x4  }
0xf4: {  	v47 =	vshll.u32 v3, $0x1  }
0xf5: {  	v3 =	vand.u32 $0x7, v3;
	v4 =	vand.u32 $0xFFFFFFF0, v47  }
0xf6: {  	v3 =	vor.u32 v3, v4  }
0xf7: {  	v4 =	vperm.xlane v3, v0;
	_ =	sdelay $0x1  }
0xf8: {  	v3 =	vperm.xlane v3, v2;
	v4 =	vadd.s32 v1, v4;
	_ =	sdelay $0x1  }
0xf9: {  	v3 =	vadd.s32 v1, v3;
	_ =	sdelay $0x1  }
0xfa: {  	s14 =	sld [smem:$0x7E9]  }
0xfb: {  	[tilespmem:s12], [sflag:$0x1] =	stream.indirect_vreg.gather [hbm4b:s1+s4], $0x80, v4, vm0, $0xb8;
	[tilespmem:$0x1FC00] =	vst v63  }
0xfc: {  	_ = 	snop  }
0xfd: {  	[tilespmem:s14], [sflag:$0x1] =	stream.indirect_vreg.gather [hbm4b:s1+s4], $0x80, v3, vm0, $0xb8;
	[tilespmem:$0x1FC00] =	vst v63  }
0xfe: {  	v3 =	vld [tilespmem:$0x110];
	_ =	sdelay $0x4  }
0xff: {  	v48 =	vshll.u32 v3, $0x1  }
0x100: {  	v3 =	vand.u32 $0x7, v3;
	v4 =	vand.u32 $0xFFFFFFF0, v48  }
0x101: {  	v3 =	vor.u32 v3, v4  }
0x102: {  	v4 =	vperm.xlane v3, v0;
	_ =	sdelay $0x1  }
0x103: {  	v3 =	vperm.xlane v3, v2;
	v4 =	vadd.s32 v1, v4;
	_ =	sdelay $0x1  }
0x104: {  	s0 =	sld [smem:$0x7EA];
	v3 =	vadd.s32 v1, v3;
	_ =	sdelay $0x1  }
0x105: {  	s14 =	sld [smem:$0x7EB]  }
0x106: {  	[tilespmem:s0], [sflag:$0x1] =	stream.indirect_vreg.gather [hbm4b:s1+s4], $0x80, v4, vm0, $0xb8;
	[tilespmem:$0x1FC00] =	vst v63  }
0x107: {  	_ = 	snop  }
0x108: {  	[tilespmem:s14], [sflag:$0x1] =	stream.indirect_vreg.gather [hbm4b:s1+s4], $0x80, v3, vm0, $0xb8;
	[tilespmem:$0x1FC00] =	vst v63  }
0x109: {  	v3 =	vld [tilespmem:$0x120];
	_ =	sdelay $0x4  }
0x10a: {  	v49 =	vshll.u32 v3, $0x1  }
0x10b: {  	v3 =	vand.u32 $0x7, v3;
	v4 =	vand.u32 $0xFFFFFFF0, v49  }
0x10c: {  	v3 =	vor.u32 v3, v4  }
0x10d: {  	v4 =	vperm.xlane v3, v0;
	_ =	sdelay $0x1  }
0x10e: {  	v3 =	vperm.xlane v3, v2;
	v4 =	vadd.s32 v1, v4;
	_ =	sdelay $0x1  }
0x10f: {  	s0 =	sld [smem:$0x7EC];
	v3 =	vadd.s32 v1, v3;
	_ =	sdelay $0x1  }
0x110: {  	s14 =	sld [smem:$0x7ED]  }
0x111: {  	[tilespmem:s0], [sflag:$0x1] =	stream.indirect_vreg.gather [hbm4b:s1+s4], $0x80, v4, vm0, $0xb8;
	[tilespmem:$0x1FC00] =	vst v63  }
0x112: {  	_ = 	snop  }
0x113: {  	[tilespmem:s14], [sflag:$0x1] =	stream.indirect_vreg.gather [hbm4b:s1+s4], $0x80, v3, vm0, $0xb8;
	[tilespmem:$0x1FC00] =	vst v63  }
0x114: {  	v3 =	vld [tilespmem:$0x130];
	_ =	sdelay $0x4  }
0x115: {  	v50 =	vshll.u32 v3, $0x1  }
0x116: {  	v3 =	vand.u32 $0x7, v3;
	v4 =	vand.u32 $0xFFFFFFF0, v50  }
0x117: {  	v3 =	vor.u32 v3, v4  }
0x118: {  	v4 =	vperm.xlane v3, v0;
	_ =	sdelay $0x1  }
0x119: {  	v3 =	vperm.xlane v3, v2;
	v4 =	vadd.s32 v1, v4;
	_ =	sdelay $0x1  }
0x11a: {  	s0 =	sld [smem:$0x7EE];
	v3 =	vadd.s32 v1, v3;
	_ =	sdelay $0x1  }
0x11b: {  	s14 =	sld [smem:$0x7EF]  }
0x11c: {  	[tilespmem:s0], [sflag:$0x1] =	stream.indirect_vreg.gather [hbm4b:s1+s4], $0x80, v4, vm0, $0xb8;
	[tilespmem:$0x1FC00] =	vst v63  }
0x11d: {  	_ = 	snop  }
0x11e: {  	[tilespmem:s14], [sflag:$0x1] =	stream.indirect_vreg.gather [hbm4b:s1+s4], $0x80, v3, vm0, $0xb8;
	[tilespmem:$0x1FC00] =	vst v63  }
0x11f: {  	v3 =	vld [tilespmem:$0x140];
	_ =	sdelay $0x4  }
0x120: {  	v51 =	vshll.u32 v3, $0x1  }
0x121: {  	v3 =	vand.u32 $0x7, v3;
	v4 =	vand.u32 $0xFFFFFFF0, v51  }
0x122: {  	v3 =	vor.u32 v3, v4  }
0x123: {  	v4 =	vperm.xlane v3, v0;
	_ =	sdelay $0x1  }
0x124: {  	v3 =	vperm.xlane v3, v2;
	v4 =	vadd.s32 v1, v4;
	_ =	sdelay $0x1  }
0x125: {  	s0 =	sld [smem:$0x7F0];
	v3 =	vadd.s32 v1, v3;
	_ =	sdelay $0x1  }
0x126: {  	s14 =	sld [smem:$0x7F1]  }
0x127: {  	[tilespmem:s0], [sflag:$0x1] =	stream.indirect_vreg.gather [hbm4b:s1+s4], $0x80, v4, vm0, $0xb8;
	[tilespmem:$0x1FC00] =	vst v63  }
0x128: {  	_ = 	snop  }
0x129: {  	[tilespmem:s14], [sflag:$0x1] =	stream.indirect_vreg.gather [hbm4b:s1+s4], $0x80, v3, vm0, $0xb8;
	[tilespmem:$0x1FC00] =	vst v63  }
0x12a: {  	v3 =	vld [tilespmem:$0x150];
	_ =	sdelay $0x4  }
0x12b: {  	v52 =	vshll.u32 v3, $0x1  }
0x12c: {  	v3 =	vand.u32 $0x7, v3;
	v4 =	vand.u32 $0xFFFFFFF0, v52  }
0x12d: {  	v3 =	vor.u32 v3, v4  }
0x12e: {  	v4 =	vperm.xlane v3, v0;
	_ =	sdelay $0x1  }
0x12f: {  	v3 =	vperm.xlane v3, v2;
	v4 =	vadd.s32 v1, v4;
	_ =	sdelay $0x1  }
0x130: {  	s0 =	sld [smem:$0x7F2];
	v3 =	vadd.s32 v1, v3;
	_ =	sdelay $0x1  }
0x131: {  	s14 =	sld [smem:$0x7F3]  }
0x132: {  	[tilespmem:s0], [sflag:$0x1] =	stream.indirect_vreg.gather [hbm4b:s1+s4], $0x80, v4, vm0, $0xb8;
	[tilespmem:$0x1FC00] =	vst v63  }
0x133: {  	_ = 	snop  }
0x134: {  	[tilespmem:s14], [sflag:$0x1] =	stream.indirect_vreg.gather [hbm4b:s1+s4], $0x80, v3, vm0, $0xb8;
	[tilespmem:$0x1FC00] =	vst v63  }
0x135: {  	v3 =	vld [tilespmem:$0x160];
	_ =	sdelay $0x4  }
0x136: {  	v53 =	vshll.u32 v3, $0x1  }
0x137: {  	v3 =	vand.u32 $0x7, v3;
	v4 =	vand.u32 $0xFFFFFFF0, v53  }
0x138: {  	v3 =	vor.u32 v3, v4  }
0x139: {  	v4 =	vperm.xlane v3, v0;
	_ =	sdelay $0x1  }
0x13a: {  	v3 =	vperm.xlane v3, v2;
	v4 =	vadd.s32 v1, v4;
	_ =	sdelay $0x1  }
0x13b: {  	s0 =	sld [smem:$0x7F4];
	v3 =	vadd.s32 v1, v3;
	_ =	sdelay $0x1  }
0x13c: {  	s14 =	sld [smem:$0x7F5]  }
0x13d: {  	[tilespmem:s0], [sflag:$0x1] =	stream.indirect_vreg.gather [hbm4b:s1+s4], $0x80, v4, vm0, $0xb8;
	[tilespmem:$0x1FC00] =	vst v63  }
0x13e: {  	_ = 	snop  }
0x13f: {  	[tilespmem:s14], [sflag:$0x1] =	stream.indirect_vreg.gather [hbm4b:s1+s4], $0x80, v3, vm0, $0xb8;
	[tilespmem:$0x1FC00] =	vst v63  }
0x140: {  	v3 =	vld [tilespmem:$0x170];
	_ =	sdelay $0x4  }
0x141: {  	v54 =	vshll.u32 v3, $0x1  }
0x142: {  	v3 =	vand.u32 $0x7, v3;
	v4 =	vand.u32 $0xFFFFFFF0, v54  }
0x143: {  	v3 =	vor.u32 v3, v4  }
0x144: {  	v4 =	vperm.xlane v3, v0;
	_ =	sdelay $0x1  }
0x145: {  	v3 =	vperm.xlane v3, v2;
	v4 =	vadd.s32 v1, v4;
	_ =	sdelay $0x1  }
0x146: {  	s0 =	sld [smem:$0x7F6];
	v3 =	vadd.s32 v1, v3;
	_ =	sdelay $0x1  }
0x147: {  	s14 =	sld [smem:$0x7F7]  }
0x148: {  	[tilespmem:s0], [sflag:$0x1] =	stream.indirect_vreg.gather [hbm4b:s1+s4], $0x80, v4, vm0, $0xb8;
	[tilespmem:$0x1FC00] =	vst v63  }
0x149: {  	_ = 	snop  }
0x14a: {  	[tilespmem:s14], [sflag:$0x1] =	stream.indirect_vreg.gather [hbm4b:s1+s4], $0x80, v3, vm0, $0xb8;
	[tilespmem:$0x1FC00] =	vst v63  }
0x14b: {  	v3 =	vld [tilespmem:$0x180];
	_ =	sdelay $0x4  }
0x14c: {  	v55 =	vshll.u32 v3, $0x1  }
0x14d: {  	v3 =	vand.u32 $0x7, v3;
	v4 =	vand.u32 $0xFFFFFFF0, v55  }
0x14e: {  	v3 =	vor.u32 v3, v4  }
0x14f: {  	v4 =	vperm.xlane v3, v0;
	_ =	sdelay $0x1  }
0x150: {  	v3 =	vperm.xlane v3, v2;
	v4 =	vadd.s32 v1, v4;
	_ =	sdelay $0x1  }
0x151: {  	v3 =	vadd.s32 v1, v3;
	_ =	sdelay $0x1  }
0x152: {  	s14 =	sld [smem:$0x7F8]  }
0x153: {  	[tilespmem:s13], [sflag:$0x1] =	stream.indirect_vreg.gather [hbm4b:s1+s4], $0x80, v4, vm0, $0xb8;
	[tilespmem:$0x1FC00] =	vst v63  }
0x154: {  	_ = 	snop  }
0x155: {  	[tilespmem:s14], [sflag:$0x1] =	stream.indirect_vreg.gather [hbm4b:s1+s4], $0x80, v3, vm0, $0xb8;
	[tilespmem:$0x1FC00] =	vst v63  }
0x156: {  	v3 =	vld [tilespmem:$0x190];
	_ =	sdelay $0x4  }
0x157: {  	v56 =	vshll.u32 v3, $0x1  }
0x158: {  	v3 =	vand.u32 $0x7, v3;
	v4 =	vand.u32 $0xFFFFFFF0, v56  }
0x159: {  	v3 =	vor.u32 v3, v4  }
0x15a: {  	v4 =	vperm.xlane v3, v0;
	_ =	sdelay $0x1  }
0x15b: {  	v3 =	vperm.xlane v3, v2;
	v4 =	vadd.s32 v1, v4;
	_ =	sdelay $0x1  }
0x15c: {  	s0 =	sld [smem:$0x7F9];
	v3 =	vadd.s32 v1, v3;
	_ =	sdelay $0x1  }
0x15d: {  	s14 =	sld [smem:$0x7FA]  }
0x15e: {  	[tilespmem:s0], [sflag:$0x1] =	stream.indirect_vreg.gather [hbm4b:s1+s4], $0x80, v4, vm0, $0xb8;
	[tilespmem:$0x1FC00] =	vst v63  }
0x15f: {  	_ = 	snop  }
0x160: {  	[tilespmem:s14], [sflag:$0x1] =	stream.indirect_vreg.gather [hbm4b:s1+s4], $0x80, v3, vm0, $0xb8;
	[tilespmem:$0x1FC00] =	vst v63  }
0x161: {  	v3 =	vld [tilespmem:$0x1A0];
	_ =	sdelay $0x4  }
0x162: {  	v57 =	vshll.u32 v3, $0x1  }
0x163: {  	v3 =	vand.u32 $0x7, v3;
	v4 =	vand.u32 $0xFFFFFFF0, v57  }
0x164: {  	v3 =	vor.u32 v3, v4  }
0x165: {  	v4 =	vperm.xlane v3, v0;
	_ =	sdelay $0x1  }
0x166: {  	v3 =	vperm.xlane v3, v2;
	v4 =	vadd.s32 v1, v4;
	_ =	sdelay $0x1  }
0x167: {  	s0 =	sld [smem:$0x7FB];
	v3 =	vadd.s32 v1, v3;
	_ =	sdelay $0x1  }
0x168: {  	s14 =	sld [smem:$0x7FC]  }
0x169: {  	[tilespmem:s0], [sflag:$0x1] =	stream.indirect_vreg.gather [hbm4b:s1+s4], $0x80, v4, vm0, $0xb8;
	[tilespmem:$0x1FC00] =	vst v63  }
0x16a: {  	_ = 	snop  }
0x16b: {  	[tilespmem:s14], [sflag:$0x1] =	stream.indirect_vreg.gather [hbm4b:s1+s4], $0x80, v3, vm0, $0xb8;
	[tilespmem:$0x1FC00] =	vst v63  }
0x16c: {  	v3 =	vld [tilespmem:$0x1B0];
	_ =	sdelay $0x4  }
0x16d: {  	v58 =	vshll.u32 v3, $0x1  }
0x16e: {  	v3 =	vand.u32 $0x7, v3;
	v4 =	vand.u32 $0xFFFFFFF0, v58  }
0x16f: {  	v3 =	vor.u32 v3, v4  }
0x170: {  	v4 =	vperm.xlane v3, v0;
	_ =	sdelay $0x1  }
0x171: {  	v3 =	vperm.xlane v3, v2;
	v4 =	vadd.s32 v1, v4;
	_ =	sdelay $0x1  }
0x172: {  	s14 =	sld [smem:$0x7FD];
	v3 =	vadd.s32 v1, v3;
	_ =	sdelay $0x2  }
0x173: {  	[tilespmem:s14], [sflag:$0x1] =	stream.indirect_vreg.gather [hbm4b:s1+s4], $0x80, v4, vm0, $0xb8;
	[tilespmem:$0x1FC00] =	vst v63  }
0x174: {  	s14 =	simm.s32 $0x1BC00  }
0x175: {  	[tilespmem:s14], [sflag:$0x1] =	stream.indirect_vreg.gather [hbm4b:s1+s4], $0x80, v3, vm0, $0xb8;
	[tilespmem:$0x1FC00] =	vst v63  }
0x176: {  	v3 =	vld [tilespmem:$0x1C0];
	_ =	sdelay $0x4  }
0x177: {  	v59 =	vshll.u32 v3, $0x1  }
0x178: {  	v3 =	vand.u32 $0x7, v3;
	v4 =	vand.u32 $0xFFFFFFF0, v59  }
0x179: {  	v3 =	vor.u32 v3, v4  }
0x17a: {  	v4 =	vperm.xlane v3, v0;
	_ =	sdelay $0x1  }
0x17b: {  	v3 =	vperm.xlane v3, v2;
	v4 =	vadd.s32 v1, v4;
	_ =	sdelay $0x1  }
0x17c: {  	v3 =	vadd.s32 v1, v3;
	_ =	sdelay $0x2  }
0x17d: {  	[tilespmem:s15], [sflag:$0x1] =	stream.indirect_vreg.gather [hbm4b:s1+s4], $0x80, v4, vm0, $0xb8;
	[tilespmem:$0x1FC00] =	vst v63  }
0x17e: {  	_ = 	snop  }
0x17f: {  	[tilespmem:s16], [sflag:$0x1] =	stream.indirect_vreg.gather [hbm4b:s1+s4], $0x80, v3, vm0, $0xb8;
	[tilespmem:$0x1FC00] =	vst v63  }
0x180: {  	v3 =	vld [tilespmem:$0x1D0];
	_ =	sdelay $0x4  }
0x181: {  	v60 =	vshll.u32 v3, $0x1  }
0x182: {  	v3 =	vand.u32 $0x7, v3;
	v4 =	vand.u32 $0xFFFFFFF0, v60  }
0x183: {  	v3 =	vor.u32 v3, v4  }
0x184: {  	v4 =	vperm.xlane v3, v0;
	_ =	sdelay $0x1  }
0x185: {  	v3 =	vperm.xlane v3, v2;
	v4 =	vadd.s32 v1, v4;
	_ =	sdelay $0x1  }
0x186: {  	v3 =	vadd.s32 v1, v3;
	_ =	sdelay $0x2  }
0x187: {  	[tilespmem:s17], [sflag:$0x1] =	stream.indirect_vreg.gather [hbm4b:s1+s4], $0x80, v4, vm0, $0xb8;
	[tilespmem:$0x1FC00] =	vst v63  }
0x188: {  	_ = 	snop  }
0x189: {  	[tilespmem:s18], [sflag:$0x1] =	stream.indirect_vreg.gather [hbm4b:s1+s4], $0x80, v3, vm0, $0xb8;
	[tilespmem:$0x1FC00] =	vst v63  }
0x18a: {  	v3 =	vld [tilespmem:$0x1E0];
	_ =	sdelay $0x4  }
0x18b: {  	v61 =	vshll.u32 v3, $0x1  }
0x18c: {  	v3 =	vand.u32 $0x7, v3;
	v4 =	vand.u32 $0xFFFFFFF0, v61  }
0x18d: {  	v3 =	vor.u32 v3, v4  }
0x18e: {  	v4 =	vperm.xlane v3, v0;
	_ =	sdelay $0x1  }
0x18f: {  	v3 =	vperm.xlane v3, v2;
	v4 =	vadd.s32 v1, v4;
	_ =	sdelay $0x1  }
0x190: {  	v3 =	vadd.s32 v1, v3;
	_ =	sdelay $0x2  }
0x191: {  	[tilespmem:s19], [sflag:$0x1] =	stream.indirect_vreg.gather [hbm4b:s1+s4], $0x80, v4, vm0, $0xb8;
	[tilespmem:$0x1FC00] =	vst v63  }
0x192: {  	_ = 	snop  }
0x193: {  	[tilespmem:s20], [sflag:$0x1] =	stream.indirect_vreg.gather [hbm4b:s1+s4], $0x80, v3, vm0, $0xb8;
	[tilespmem:$0x1FC00] =	vst v63  }
0x194: {  	v3 =	vld.msk [tilespmem:$0x1F0], $0xff;
	_ =	sdelay $0x4  }
0x195: {  	v62 =	vshll.u32 v3, $0x1  }
0x196: {  	v3 =	vand.u32 $0x7, v3;
	v4 =	vand.u32 $0xFFFFFFF0, v62  }
0x197: {  	v3 =	vor.u32 v3, v4  }
0x198: {  	v3 =	vperm.xlane v3, v0;
	_ =	sdelay $0x1  }
0x199: {  	v3 =	vadd.s32 v1, v3;
	_ =	sdelay $0x4  }
0x19a: {  	[tilespmem:s21], [sflag:$0x1] =	stream.indirect_vreg.gather [hbm4b:s1+s4], $0x80, v3, vm0, $0xb8;
	[tilespmem:$0x1FC00] =	vst v63  }
0x19b: {  	_ = 	snop  }
0x19c: {  	[tilespmem:s23], [sflag:$0x2] =	stream.indirect.gather [hbm4b:s2+s22], $0x1, s4, s22, $0xb8;
	[tilespmem:$0x1FC00] =	vst v63  }
0x19d: {  	_ = 	snop  }
0x19e: {  	[tilespmem:s24], [sflag:$0x2] =	stream.indirect.gather [hbm4b:s2+s22], $0x1, s22, s22, $0xb8;
	[tilespmem:$0x1FC00] =	vst v63  }
0x19f: {  	_ = 	snop  }
0x1a0: {  	[tilespmem:s26], [sflag:$0x2] =	stream.indirect.gather [hbm4b:s2+s22], $0x1, s25, s22, $0xb8;
	[tilespmem:$0x1FC00] =	vst v63  }
0x1a1: {  	_ = 	snop  }
0x1a2: {  	[tilespmem:s29], [sflag:$0x2] =	stream.indirect.gather [hbm4b:s2+s22], $0x1, s28, s22, $0xb8;
	[tilespmem:$0x1FC00] =	vst v63  }
0x1a3: {  	_ =	swait.ge [sflag:s30], $0x2000  }
0x1a4: {  	[sflag:s30] =	ssyncset.done $0x0  }
0x1a5: {  	[sflag:s30] =	ssyncadd.s32 $0xFFFFE000  }
0x1a6: {  	[hbm4b:s5+s4] =	stream.linear.scatter [tilespmem:s8], [sflag:$0x3], $0x2000, $0x38;
	[tilespmem:$0x1FC00] =	vst v63  }
0x1a7: {  	_ =	swait.ge [sflag:s30], $0x2000  }
0x1a8: {  	[sflag:s30] =	ssyncset.done $0x0  }
0x1a9: {  	s14 =	rddreg [dreg:$0x7];
	[sflag:s30] =	ssyncadd.s32 $0xFFFFE000  }
0x1aa: {  	[hbm4b:s14+s4] =	stream.linear.scatter [tilespmem:s9], [sflag:$0x3], $0x2000, $0x38;
	[tilespmem:$0x1FC00] =	vst v63  }
0x1ab: {  	_ =	swait.ge [sflag:s30], $0x4000  }
0x1ac: {  	[sflag:s30] =	ssyncset.done $0x0  }
0x1ad: {  	s14 =	rddreg [dreg:$0x8];
	[sflag:s30] =	ssyncadd.s32 $0xFFFFC000  }
0x1ae: {  	[hbm4b:s14+s4] =	stream.linear.scatter [tilespmem:s10], [sflag:$0x3], $0x4000, $0x38;
	[tilespmem:$0x1FC00] =	vst v63  }
0x1af: {  	_ =	swait.ge [sflag:s30], $0x8000  }
0x1b0: {  	[sflag:s30] =	ssyncset.done $0x0  }
0x1b1: {  	s14 =	rddreg [dreg:$0x9];
	[sflag:s30] =	ssyncadd.s32 $0xFFFF8000  }
0x1b2: {  	[hbm4b:s14+s4] =	stream.linear.scatter [tilespmem:s11], [sflag:$0x3], $0x8000, $0x38;
	[tilespmem:$0x1FC00] =	vst v63  }
0x1b3: {  	_ =	swait.ge [sflag:s30], $0x8000  }
0x1b4: {  	[sflag:s30] =	ssyncset.done $0x0  }
0x1b5: {  	s14 =	rddreg [dreg:$0xa];
	[sflag:s30] =	ssyncadd.s32 $0xFFFF8000  }
0x1b6: {  	[hbm4b:s14+s4] =	stream.linear.scatter [tilespmem:s12], [sflag:$0x3], $0x8000, $0x38;
	[tilespmem:$0x1FC00] =	vst v63  }
0x1b7: {  	_ =	swait.ge [sflag:s30], $0x7800  }
0x1b8: {  	[sflag:s30] =	ssyncset.done $0x0  }
0x1b9: {  	s14 =	rddreg [dreg:$0xb];
	[sflag:s30] =	ssyncadd.s32 $0xFFFF8800  }
0x1ba: {  	[hbm4b:s14+s4] =	stream.linear.scatter [tilespmem:s13], [sflag:$0x3], $0x7800, $0x38;
	[tilespmem:$0x1FC00] =	vst v63  }
0x1bb: {  	_ =	swait.ge [sflag:s31], $0x2000  }
0x1bc: {  	[sflag:s31] =	ssyncset.done $0x0  }
0x1bd: {  	[sflag:s31] =	ssyncadd.s32 $0xFFFFE000  }
0x1be: {  	v3 =	vld.msk [tilespmem:$0x1F8], $0xff;
	_ =	sdelay $0x4  }
0x1bf: {  	v63 =	vshll.u32 v3, $0x1  }
0x1c0: {  	v3 =	vand.u32 $0x7, v3;
	v4 =	vand.u32 $0xFFFFFFF0, v63  }
0x1c1: {  	v3 =	vor.u32 v3, v4  }
0x1c2: {  	v3 =	vperm.xlane v3, v0;
	_ =	sdelay $0x1  }
0x1c3: {  	v3 =	vadd.s32 v1, v3;
	_ =	sdelay $0x4  }
0x1c4: {  	[tilespmem:s8], [sflag:$0x1] =	stream.indirect_vreg.gather [hbm4b:s1+s4], $0x80, v3, vm0, $0xb8;
	[tilespmem:$0x1FC00] =	vst v63  }
0x1c5: {  	_ =	swait.ge [sflag:s30], $0x800  }
0x1c6: {  	[sflag:s30] =	ssyncset.done $0x0  }
0x1c7: {  	s14 =	rddreg [dreg:$0xc];
	[sflag:s30] =	ssyncadd.s32 $0xFFFFF800  }
0x1c8: {  	[hbm4b:s14+s4] =	stream.linear.scatter [tilespmem:s8], [sflag:$0x3], $0x800, $0x38;
	[tilespmem:$0x1FC00] =	vst v63  }
0x1c9: {  	_ =	swait.ge [sflag:s3], $0x80  }
0x1ca: {  	[sflag:s3] =	ssyncset.done $0x0  }
0x1cb: {  	[sflag:s3] =	ssyncadd.s32 $0xFFFFFF80  }
0x1cc: {  	_ =	swait.ge [sflag:s3], $0x80  }
0x1cd: {  	[sflag:s3] =	ssyncset.done $0x0  }
0x1ce: {  	[sflag:s3] =	ssyncadd.s32 $0xFFFFFF80  }
0x1cf: {  	_ =	swait.ge [sflag:s3], $0x80  }
0x1d0: {  	[sflag:s3] =	ssyncset.done $0x0  }
0x1d1: {  	[sflag:s3] =	ssyncadd.s32 $0xFFFFFF80  }
0x1d2: {  	_ =	swait.ge [sflag:s3], $0x80  }
0x1d3: {  	[sflag:s3] =	ssyncset.done $0x0  }
0x1d4: {  	s14 =	rddreg [dreg:$0xd];
	[sflag:s3] =	ssyncadd.s32 $0xFFFFFF80  }
0x1d5: {  	[hbm4b:s14+s4] =	stream.linear.scatter [tilespmem:s23], [sflag:$0x2], $0x200, $0x38;
	[tilespmem:$0x1FC00] =	vst v63  }
0x1d6: {  	_ =	swait.ge [sflag:s31], $0x2000  }
0x1d7: {  	[sflag:s31] =	ssyncset.done $0x0  }
0x1d8: {  	[sflag:s31] =	ssyncadd.s32 $0xFFFFE000  }
0x1d9: {  	_ =	swait.ge [sflag:s31], $0x4000  }
0x1da: {  	[sflag:s31] =	ssyncset.done $0x0  }
0x1db: {  	[sflag:s31] =	ssyncadd.s32 $0xFFFFC000  }
0x1dc: {  	_ =	swait.ge [sflag:s31], $0x8000  }
0x1dd: {  	[sflag:s31] =	ssyncset.done $0x0  }
0x1de: {  	[sflag:s31] =	ssyncadd.s32 $0xFFFF8000  }
0x1df: {  	_ =	swait.ge [sflag:s31], $0x8000  }
0x1e0: {  	[sflag:s31] =	ssyncset.done $0x0  }
0x1e1: {  	[sflag:s31] =	ssyncadd.s32 $0xFFFF8000  }
0x1e2: {  	_ =	swait.ge [sflag:s31], $0x7800  }
0x1e3: {  	[sflag:s31] =	ssyncset.done $0x0  }
0x1e4: {  	[sflag:s31] =	ssyncadd.s32 $0xFFFF8800  }
0x1e5: {  	p0 =	sne.s32 s6, $0x1;
	_ =	swait.ge [sflag:s31], $0x800  }
.Ltmp0:
0x1e6: {  	[sflag:s31] =	ssyncset.done $0x0;
	(pc) =	sbr.rel @p0 .LBB2_1-.Ltmp0, $4  }
0x1e7: {  	[sflag:s31] =	ssyncadd.s32 $0xFFFFF800  }
0x1e8: {  	_ =	swait.ge [sflag:s3], $0x200  }
0x1e9: {  	[sflag:s3] =	ssyncset.done $0x0  }
0x1ea: {  	s6 =	sadd.s32 $0xFFFFFFFF, s6;
	[sflag:s3] =	ssyncadd.s32 $0xFFFFFE00  }
0x1eb: {  	_ =	sfence.sel $0x180000  }
0x1ec: {  	[bflag:$0x0] =	sbarrier.arrive $0xFFFF  }
0x1ed: {  	_ =	strace $0x90000047  }
0x1ee: {  	s0 =	stileid.u32;
	[bflag:$0x2] =	sbarrier.arrive $0xFFFF  }
0x1ef: {  	p0 =	sne.s32 s0, $0x0;
	s0 =	rddreg [dreg:$0x5]  }
0x1f0: {  	s0 =	sadd.s32 @!p0 $0x100000, s0  }
0x1f1: {  	[sflag:s0] =	ssyncadd.tile.s32 @!p0 $0x1;
	_ =	shalt  }
.Lfunc_end2:
_tile_overlayer_lowered:
.L_overlay_start_2:
0x1f2: {  	(tag) =	ssettag $0x2  }
0x1f3: {  	s0 =	rddreg [dreg:$0x0];
	s2 =	stileid.u32  }
0x1f4: {  	s1 =	rddreg [dreg:$0x1];
	p0 =	sne.s32 s2, $0x0  }
0x1f5: {  	s3 =	rddreg [dreg:$0x2];
	[bflag:$0x3] =	sbarrier.arrive $0xFFFF;
	s2 =	simm.s32 @!p0 $0x1C04  }
0x1f6: {  	[timem:s3], [sflag:s2] =	dma.local @!p0 [hbm:s0], s1  }
0x1f7: {  	s0 =	simm.s32 @!p0 $0x4  }
0x1f8: {  	_ =	swait.ge @!p0 [sflag:s0], s1  }
0x1f9: {  	s1 =	ssub.s32 @!p0 $0x0, s1;
	[sflag:s0] =	ssyncset.done @!p0 $0x0  }
0x1fa: {  	[sflag:s0] =	ssyncadd.s32 @!p0 s1  }
0x1fb: {  	[bflag:$0x3] =	sbarrier.arrive $0xFFFF  }
0x1fc: {  	_ =	shalt  }

</sc_bundles>
